<compile_context>
chip_gen: v7x
topology: tpu7x:2x2x1
jax: 0.10.2.dev20260603
libtpu: 0.0.44.dev20260713+nightly
codegen_flags: <defaults>
</compile_context>

<pallas_src>
import functools

import jax
import jax.numpy as jnp
from jax import lax
from jax.experimental import pallas as pl
from jax.experimental.pallas import tpu as pltpu
from jax.experimental.pallas import tpu_sc as plsc

_VOCAB_SIZE = 1000

_NC, _NS, _L = 2, 16, 16
_NW = _NC * _NS
_CH = 4


@functools.cache
def _build(nrows, ncols):
    assert ncols % (_NW * _CH * 128) == 0
    cols_w = ncols // _NW
    cw = cols_w // _CH
    vecs = cw // _L

    mesh = plsc.VectorSubcoreMesh(core_axis_name="c", subcore_axis_name="s")

    @functools.partial(
        pl.kernel,
        out_type=jax.ShapeDtypeStruct((nrows, ncols), jnp.int32),
        mesh=mesh,
        scratch_types=(
            [pltpu.VMEM((nrows, cw), jnp.int32) for _ in range(_CH)]
            + [pltpu.SemaphoreType.DMA for _ in range(2 * _CH)]
        ),
        compiler_params=pltpu.CompilerParams(use_tc_tiling_on_sc=True),
    )
    def body(x_hbm, out_hbm, *scratch):
        ibufs = scratch[:_CH]
        sin = scratch[_CH : 2 * _CH]
        sout = scratch[2 * _CH :]
        wid = lax.axis_index("s") * _NC + lax.axis_index("c")
        base = wid * cols_w

        h_in = [
            pltpu.async_copy(
                x_hbm.at[:, pl.ds(base + c * cw, cw)], ibufs[c], sin[c]
            )
            for c in range(_CH)
        ]
        h_out = []
        for c in range(_CH):
            h_in[c].wait()
            buf = ibufs[c]

            @plsc.parallel_loop(0, nrows, unroll=2)
            def _(r, buf=buf):
                for ci in range(vecs):
                    v = buf[r, pl.ds(ci * _L, _L)]
                    ok = plsc.bitcast(v, jnp.uint32) < _VOCAB_SIZE
                    buf[r, pl.ds(ci * _L, _L)] = jnp.where(ok, v, jnp.int32(-1))
            h_out.append(
                pltpu.async_copy(
                    buf, out_hbm.at[:, pl.ds(base + c * cw, cw)], sout[c]
                )
            )
        for h in h_out:
            h.wait()

    return body


def kernel(x):
    xt = x.T
    return _build(*xt.shape)(xt).T

# --- scband reference (transcript-rebuilt; emitter-appended) ---
"""Pipeline reference for scband-vocab-lookup-48163763257603 (READ-ONLY COPY).

The authoritative reference and input builder live on the scoring server;
editing this copy changes nothing except your own understanding.
"""

import jax, jax.numpy as jnp
import numpy as np

VOCABS = np.arange(1000, dtype=np.int64)  # matches init_kwargs vocabs=[0..999]
NUM_OOV_BUCKETS = 0


def setup_inputs(seed: int = 0) -> dict:
    key = jax.random.key(seed)
    x = jax.random.randint(key, (16384, 100), 0, 1200, dtype=jnp.int64)
    return {"x": x}


def reference(x):
    # Faithful translation of tf.lookup.StaticVocabularyTable semantics for int64 keys:
    # exact-match key -> its index in the vocab list; miss -> OOV.
    # With num_oov_buckets <= 0 the layer rewrites any OOV id (>= len(vocabs)) to -1.
    keys = jnp.asarray(VOCABS, dtype=jnp.int64)
    order = jnp.argsort(keys)
    sorted_keys = keys[order]
    n = sorted_keys.shape[0]
    pos = jnp.searchsorted(sorted_keys, x)
    pos_c = jnp.clip(pos, 0, n - 1)
    found = sorted_keys[pos_c] == x
    ids = jnp.where(found, order[pos_c].astype(jnp.int64), jnp.int64(-1))
    return ids

if __name__ == "__main__":
    import jax
    _d = setup_inputs()
    print(jax.jit(kernel)(*tuple(_d.values())))

</pallas_src>

<mosaic_0001>
#map = affine_map<(d0, d1) -> (0, 0)>
module attributes {stable_mosaic.version = 14 : i64} {
  func.func @body(%arg0: i32, %arg1: i32, %arg2: memref<100x16384xi32, #tpu.memory_space<hbm>>, %arg3: memref<100x16384xi32, #tpu.memory_space<hbm>>, %arg4: memref<100x128xi32, #tpu.memory_space<vmem>>, %arg5: memref<100x128xi32, #tpu.memory_space<vmem>>, %arg6: memref<100x128xi32, #tpu.memory_space<vmem>>, %arg7: memref<100x128xi32, #tpu.memory_space<vmem>>, %arg8: memref<!tpu.dma_semaphore, #tpu.memory_space<semaphore_mem>>, %arg9: memref<!tpu.dma_semaphore, #tpu.memory_space<semaphore_mem>>, %arg10: memref<!tpu.dma_semaphore, #tpu.memory_space<semaphore_mem>>, %arg11: memref<!tpu.dma_semaphore, #tpu.memory_space<semaphore_mem>>, %arg12: memref<!tpu.dma_semaphore, #tpu.memory_space<semaphore_mem>>, %arg13: memref<!tpu.dma_semaphore, #tpu.memory_space<semaphore_mem>>, %arg14: memref<!tpu.dma_semaphore, #tpu.memory_space<semaphore_mem>>, %arg15: memref<!tpu.dma_semaphore, #tpu.memory_space<semaphore_mem>>) attributes {dimension_semantics = [#tpu.dimension_semantics<core_parallel>, #tpu.dimension_semantics<subcore_parallel>], iteration_bounds = array<i64: 2, 16>, scalar_prefetch = 0 : i64, scratch_operands = 12 : i64, tpu.core_type = #tpu.core_type<sc_vector_subcore>, window_params = [{transform_indices = #map}, {transform_indices = #map}]} {
    %mul3A = arith.constant 2 : i32
    %mul3A_0 = arith.muli %arg1, %mul3A : i32
    %add3A = arith.addi %mul3A_0, %arg0 : i32
    %mul3A_1 = arith.constant 512 : i32
    %mul3A_2 = arith.muli %add3A, %mul3A_1 : i32
    %add3A_3 = arith.constant 0 : i32
    %add3A_4 = arith.addi %mul3A_2, %add3A_3 : i32
    %dma_start3A = arith.constant 0 : i32
    %dma_start3A_5 = tpu.memref_slice %arg2[%dma_start3A, %add3A_4] : memref<100x16384xi32, #tpu.memory_space<hbm>> -> memref<100x128xi32, #tpu.memory_space<hbm>>
    %dma_start3A_6 = arith.constant 0 : i32
    %dma_start3A_7 = tpu.memref_slice %arg2[%dma_start3A_6, %add3A_4] : memref<100x16384xi32, #tpu.memory_space<hbm>> -> memref<100x128xi32, #tpu.memory_space<hbm>>
    tpu.enqueue_dma source(%dma_start3A_7 : memref<100x128xi32, #tpu.memory_space<hbm>>) target(%arg4 : memref<100x128xi32, #tpu.memory_space<vmem>>) target_semaphore(%arg8 : memref<!tpu.dma_semaphore, #tpu.memory_space<semaphore_mem>>)
    %add3A_8 = arith.constant 128 : i32
    %add3A_9 = arith.addi %mul3A_2, %add3A_8 : i32
    %dma_start3A_10 = arith.constant 0 : i32
    %dma_start3A_11 = tpu.memref_slice %arg2[%dma_start3A_10, %add3A_9] : memref<100x16384xi32, #tpu.memory_space<hbm>> -> memref<100x128xi32, #tpu.memory_space<hbm>>
    %dma_start3A_12 = arith.constant 0 : i32
    %dma_start3A_13 = tpu.memref_slice %arg2[%dma_start3A_12, %add3A_9] : memref<100x16384xi32, #tpu.memory_space<hbm>> -> memref<100x128xi32, #tpu.memory_space<hbm>>
    tpu.enqueue_dma source(%dma_start3A_13 : memref<100x128xi32, #tpu.memory_space<hbm>>) target(%arg5 : memref<100x128xi32, #tpu.memory_space<vmem>>) target_semaphore(%arg9 : memref<!tpu.dma_semaphore, #tpu.memory_space<semaphore_mem>>)
    %add3A_14 = arith.constant 256 : i32
    %add3A_15 = arith.addi %mul3A_2, %add3A_14 : i32
    %dma_start3A_16 = arith.constant 0 : i32
    %dma_start3A_17 = tpu.memref_slice %arg2[%dma_start3A_16, %add3A_15] : memref<100x16384xi32, #tpu.memory_space<hbm>> -> memref<100x128xi32, #tpu.memory_space<hbm>>
    %dma_start3A_18 = arith.constant 0 : i32
    %dma_start3A_19 = tpu.memref_slice %arg2[%dma_start3A_18, %add3A_15] : memref<100x16384xi32, #tpu.memory_space<hbm>> -> memref<100x128xi32, #tpu.memory_space<hbm>>
    tpu.enqueue_dma source(%dma_start3A_19 : memref<100x128xi32, #tpu.memory_space<hbm>>) target(%arg6 : memref<100x128xi32, #tpu.memory_space<vmem>>) target_semaphore(%arg10 : memref<!tpu.dma_semaphore, #tpu.memory_space<semaphore_mem>>)
    %add3A_20 = arith.constant 384 : i32
    %add3A_21 = arith.addi %mul3A_2, %add3A_20 : i32
    %dma_start3A_22 = arith.constant 0 : i32
    %dma_start3A_23 = tpu.memref_slice %arg2[%dma_start3A_22, %add3A_21] : memref<100x16384xi32, #tpu.memory_space<hbm>> -> memref<100x128xi32, #tpu.memory_space<hbm>>
    %dma_start3A_24 = arith.constant 0 : i32
    %dma_start3A_25 = tpu.memref_slice %arg2[%dma_start3A_24, %add3A_21] : memref<100x16384xi32, #tpu.memory_space<hbm>> -> memref<100x128xi32, #tpu.memory_space<hbm>>
    tpu.enqueue_dma source(%dma_start3A_25 : memref<100x128xi32, #tpu.memory_space<hbm>>) target(%arg7 : memref<100x128xi32, #tpu.memory_space<vmem>>) target_semaphore(%arg11 : memref<!tpu.dma_semaphore, #tpu.memory_space<semaphore_mem>>)
    %dma_wait3A = arith.constant 0 : i32
    %dma_wait3A_26 = tpu.memref_slice %arg2[%dma_wait3A, %add3A_4] : memref<100x16384xi32, #tpu.memory_space<hbm>> -> memref<100x128xi32, #tpu.memory_space<hbm>>
    %dma_wait3A_27 = arith.constant 0 : i32
    %dma_wait3A_28 = tpu.memref_slice %arg2[%dma_wait3A_27, %add3A_4] : memref<100x16384xi32, #tpu.memory_space<hbm>> -> memref<100x128xi32, #tpu.memory_space<hbm>>
    tpu.wait_dma2 semaphore(%arg8 : memref<!tpu.dma_semaphore, #tpu.memory_space<semaphore_mem>>) src(%dma_wait3A_28 : memref<100x128xi32, #tpu.memory_space<hbm>>) dst(%arg4 : memref<100x128xi32, #tpu.memory_space<vmem>>)
    %parallel_loop3A = arith.constant 0 : i32
    %parallel_loop3A_29 = arith.constant 100 : i32
    %parallel_loop3A_30 = arith.constant 1 : i32
    scf.for %parallel_loop3A_92 = %parallel_loop3A to %parallel_loop3A_29 step %parallel_loop3A_30  : i32 {
      %parallel_loop3A_93 = arith.index_cast %parallel_loop3A_92 : i32 to index
      %parallel_loop3A_94 = arith.constant 0 : index
      %parallel_loop3A_95 = tpu.vector_load %arg4[%parallel_loop3A_93, %parallel_loop3A_94] {strides = array<i32>} : memref<100x128xi32, #tpu.memory_space<vmem>>, vector<1x16xi32>,
      %parallel_loop3A_96 = vector.shape_cast %parallel_loop3A_95 : vector<1x16xi32> to vector<16xi32>
      %parallel_loop3A_97 = vector.bitcast %parallel_loop3A_96 : vector<16xi32> to vector<16xi32>
      %parallel_loop3A_98 = arith.constant 1000 : i32
      %parallel_loop3A_99 = vector.broadcast %parallel_loop3A_98 : i32 to vector<16xi32>
      %parallel_loop3A_100 = arith.cmpi ult, %parallel_loop3A_97, %parallel_loop3A_99 : vector<16xi32>
      %parallel_loop3A_101 = arith.constant -1 : i32
      %parallel_loop3A_102 = vector.broadcast %parallel_loop3A_101 : i32 to vector<16xi32>
      %parallel_loop3A_103 = arith.select %parallel_loop3A_100, %parallel_loop3A_96, %parallel_loop3A_102 : vector<16xi1>, vector<16xi32>
      %parallel_loop3A_104 = arith.index_cast %parallel_loop3A_92 : i32 to index
      %parallel_loop3A_105 = arith.constant 0 : index
      %parallel_loop3A_106 = tpu.vector_load %arg4[%parallel_loop3A_104, %parallel_loop3A_105] {strides = array<i32>} : memref<100x128xi32, #tpu.memory_space<vmem>>, vector<1x16xi32>,
      %parallel_loop3A_107 = vector.shape_cast %parallel_loop3A_106 : vector<1x16xi32> to vector<16xi32>
      %parallel_loop3A_108 = vector.shape_cast %parallel_loop3A_103 : vector<16xi32> to vector<1x16xi32>
      tpu.vector_store %arg4[%parallel_loop3A_104, %parallel_loop3A_105], %parallel_loop3A_108 {strides = array<i32>} : memref<100x128xi32, #tpu.memory_space<vmem>>, vector<1x16xi32>,
      %parallel_loop3A_109 = arith.index_cast %parallel_loop3A_92 : i32 to index
      %parallel_loop3A_110 = arith.constant 16 : index
      %parallel_loop3A_111 = tpu.vector_load %arg4[%parallel_loop3A_109, %parallel_loop3A_110] {strides = array<i32>} : memref<100x128xi32, #tpu.memory_space<vmem>>, vector<1x16xi32>,
      %parallel_loop3A_112 = vector.shape_cast %parallel_loop3A_111 : vector<1x16xi32> to vector<16xi32>
      %parallel_loop3A_113 = vector.bitcast %parallel_loop3A_112 : vector<16xi32> to vector<16xi32>
      %parallel_loop3A_114 = arith.constant 1000 : i32
      %parallel_loop3A_115 = vector.broadcast %parallel_loop3A_114 : i32 to vector<16xi32>
      %parallel_loop3A_116 = arith.cmpi ult, %parallel_loop3A_113, %parallel_loop3A_115 : vector<16xi32>
      %parallel_loop3A_117 = arith.constant -1 : i32
      %parallel_loop3A_118 = vector.broadcast %parallel_loop3A_117 : i32 to vector<16xi32>
      %parallel_loop3A_119 = arith.select %parallel_loop3A_116, %parallel_loop3A_112, %parallel_loop3A_118 : vector<16xi1>, vector<16xi32>
      %parallel_loop3A_120 = arith.index_cast %parallel_loop3A_92 : i32 to index
      %parallel_loop3A_121 = arith.constant 16 : index
      %parallel_loop3A_122 = tpu.vector_load %arg4[%parallel_loop3A_120, %parallel_loop3A_121] {strides = array<i32>} : memref<100x128xi32, #tpu.memory_space<vmem>>, vector<1x16xi32>,
      %parallel_loop3A_123 = vector.shape_cast %parallel_loop3A_122 : vector<1x16xi32> to vector<16xi32>
      %parallel_loop3A_124 = vector.shape_cast %parallel_loop3A_119 : vector<16xi32> to vector<1x16xi32>
      tpu.vector_store %arg4[%parallel_loop3A_120, %parallel_loop3A_121], %parallel_loop3A_124 {strides = array<i32>} : memref<100x128xi32, #tpu.memory_space<vmem>>, vector<1x16xi32>,
      %parallel_loop3A_125 = arith.index_cast %parallel_loop3A_92 : i32 to index
      %parallel_loop3A_126 = arith.constant 32 : index
      %parallel_loop3A_127 = tpu.vector_load %arg4[%parallel_loop3A_125, %parallel_loop3A_126] {strides = array<i32>} : memref<100x128xi32, #tpu.memory_space<vmem>>, vector<1x16xi32>,
      %parallel_loop3A_128 = vector.shape_cast %parallel_loop3A_127 : vector<1x16xi32> to vector<16xi32>
      %parallel_loop3A_129 = vector.bitcast %parallel_loop3A_128 : vector<16xi32> to vector<16xi32>
      %parallel_loop3A_130 = arith.constant 1000 : i32
      %parallel_loop3A_131 = vector.broadcast %parallel_loop3A_130 : i32 to vector<16xi32>
      %parallel_loop3A_132 = arith.cmpi ult, %parallel_loop3A_129, %parallel_loop3A_131 : vector<16xi32>
      %parallel_loop3A_133 = arith.constant -1 : i32
      %parallel_loop3A_134 = vector.broadcast %parallel_loop3A_133 : i32 to vector<16xi32>
      %parallel_loop3A_135 = arith.select %parallel_loop3A_132, %parallel_loop3A_128, %parallel_loop3A_134 : vector<16xi1>, vector<16xi32>
      %parallel_loop3A_136 = arith.index_cast %parallel_loop3A_92 : i32 to index
      %parallel_loop3A_137 = arith.constant 32 : index
      %parallel_loop3A_138 = tpu.vector_load %arg4[%parallel_loop3A_136, %parallel_loop3A_137] {strides = array<i32>} : memref<100x128xi32, #tpu.memory_space<vmem>>, vector<1x16xi32>,
      %parallel_loop3A_139 = vector.shape_cast %parallel_loop3A_138 : vector<1x16xi32> to vector<16xi32>
      %parallel_loop3A_140 = vector.shape_cast %parallel_loop3A_135 : vector<16xi32> to vector<1x16xi32>
      tpu.vector_store %arg4[%parallel_loop3A_136, %parallel_loop3A_137], %parallel_loop3A_140 {strides = array<i32>} : memref<100x128xi32, #tpu.memory_space<vmem>>, vector<1x16xi32>,
      %parallel_loop3A_141 = arith.index_cast %parallel_loop3A_92 : i32 to index
      %parallel_loop3A_142 = arith.constant 48 : index
      %parallel_loop3A_143 = tpu.vector_load %arg4[%parallel_loop3A_141, %parallel_loop3A_142] {strides = array<i32>} : memref<100x128xi32, #tpu.memory_space<vmem>>, vector<1x16xi32>,
      %parallel_loop3A_144 = vector.shape_cast %parallel_loop3A_143 : vector<1x16xi32> to vector<16xi32>
      %parallel_loop3A_145 = vector.bitcast %parallel_loop3A_144 : vector<16xi32> to vector<16xi32>
      %parallel_loop3A_146 = arith.constant 1000 : i32
      %parallel_loop3A_147 = vector.broadcast %parallel_loop3A_146 : i32 to vector<16xi32>
      %parallel_loop3A_148 = arith.cmpi ult, %parallel_loop3A_145, %parallel_loop3A_147 : vector<16xi32>
      %parallel_loop3A_149 = arith.constant -1 : i32
      %parallel_loop3A_150 = vector.broadcast %parallel_loop3A_149 : i32 to vector<16xi32>
      %parallel_loop3A_151 = arith.select %parallel_loop3A_148, %parallel_loop3A_144, %parallel_loop3A_150 : vector<16xi1>, vector<16xi32>
      %parallel_loop3A_152 = arith.index_cast %parallel_loop3A_92 : i32 to index
      %parallel_loop3A_153 = arith.constant 48 : index
      %parallel_loop3A_154 = tpu.vector_load %arg4[%parallel_loop3A_152, %parallel_loop3A_153] {strides = array<i32>} : memref<100x128xi32, #tpu.memory_space<vmem>>, vector<1x16xi32>,
      %parallel_loop3A_155 = vector.shape_cast %parallel_loop3A_154 : vector<1x16xi32> to vector<16xi32>
      %parallel_loop3A_156 = vector.shape_cast %parallel_loop3A_151 : vector<16xi32> to vector<1x16xi32>
      tpu.vector_store %arg4[%parallel_loop3A_152, %parallel_loop3A_153], %parallel_loop3A_156 {strides = array<i32>} : memref<100x128xi32, #tpu.memory_space<vmem>>, vector<1x16xi32>,
      %parallel_loop3A_157 = arith.index_cast %parallel_loop3A_92 : i32 to index
      %parallel_loop3A_158 = arith.constant 64 : index
      %parallel_loop3A_159 = tpu.vector_load %arg4[%parallel_loop3A_157, %parallel_loop3A_158] {strides = array<i32>} : memref<100x128xi32, #tpu.memory_space<vmem>>, vector<1x16xi32>,
      %parallel_loop3A_160 = vector.shape_cast %parallel_loop3A_159 : vector<1x16xi32> to vector<16xi32>
      %parallel_loop3A_161 = vector.bitcast %parallel_loop3A_160 : vector<16xi32> to vector<16xi32>
      %parallel_loop3A_162 = arith.constant 1000 : i32
      %parallel_loop3A_163 = vector.broadcast %parallel_loop3A_162 : i32 to vector<16xi32>
      %parallel_loop3A_164 = arith.cmpi ult, %parallel_loop3A_161, %parallel_loop3A_163 : vector<16xi32>
      %parallel_loop3A_165 = arith.constant -1 : i32
      %parallel_loop3A_166 = vector.broadcast %parallel_loop3A_165 : i32 to vector<16xi32>
      %parallel_loop3A_167 = arith.select %parallel_loop3A_164, %parallel_loop3A_160, %parallel_loop3A_166 : vector<16xi1>, vector<16xi32>
      %parallel_loop3A_168 = arith.index_cast %parallel_loop3A_92 : i32 to index
      %parallel_loop3A_169 = arith.constant 64 : index
      %parallel_loop3A_170 = tpu.vector_load %arg4[%parallel_loop3A_168, %parallel_loop3A_169] {strides = array<i32>} : memref<100x128xi32, #tpu.memory_space<vmem>>, vector<1x16xi32>,
      %parallel_loop3A_171 = vector.shape_cast %parallel_loop3A_170 : vector<1x16xi32> to vector<16xi32>
      %parallel_loop3A_172 = vector.shape_cast %parallel_loop3A_167 : vector<16xi32> to vector<1x16xi32>
      tpu.vector_store %arg4[%parallel_loop3A_168, %parallel_loop3A_169], %parallel_loop3A_172 {strides = array<i32>} : memref<100x128xi32, #tpu.memory_space<vmem>>, vector<1x16xi32>,
      %parallel_loop3A_173 = arith.index_cast %parallel_loop3A_92 : i32 to index
      %parallel_loop3A_174 = arith.constant 80 : index
      %parallel_loop3A_175 = tpu.vector_load %arg4[%parallel_loop3A_173, %parallel_loop3A_174] {strides = array<i32>} : memref<100x128xi32, #tpu.memory_space<vmem>>, vector<1x16xi32>,
      %parallel_loop3A_176 = vector.shape_cast %parallel_loop3A_175 : vector<1x16xi32> to vector<16xi32>
      %parallel_loop3A_177 = vector.bitcast %parallel_loop3A_176 : vector<16xi32> to vector<16xi32>
      %parallel_loop3A_178 = arith.constant 1000 : i32
      %parallel_loop3A_179 = vector.broadcast %parallel_loop3A_178 : i32 to vector<16xi32>
      %parallel_loop3A_180 = arith.cmpi ult, %parallel_loop3A_177, %parallel_loop3A_179 : vector<16xi32>
      %parallel_loop3A_181 = arith.constant -1 : i32
      %parallel_loop3A_182 = vector.broadcast %parallel_loop3A_181 : i32 to vector<16xi32>
      %parallel_loop3A_183 = arith.select %parallel_loop3A_180, %parallel_loop3A_176, %parallel_loop3A_182 : vector<16xi1>, vector<16xi32>
      %parallel_loop3A_184 = arith.index_cast %parallel_loop3A_92 : i32 to index
      %parallel_loop3A_185 = arith.constant 80 : index
      %parallel_loop3A_186 = tpu.vector_load %arg4[%parallel_loop3A_184, %parallel_loop3A_185] {strides = array<i32>} : memref<100x128xi32, #tpu.memory_space<vmem>>, vector<1x16xi32>,
      %parallel_loop3A_187 = vector.shape_cast %parallel_loop3A_186 : vector<1x16xi32> to vector<16xi32>
      %parallel_loop3A_188 = vector.shape_cast %parallel_loop3A_183 : vector<16xi32> to vector<1x16xi32>
      tpu.vector_store %arg4[%parallel_loop3A_184, %parallel_loop3A_185], %parallel_loop3A_188 {strides = array<i32>} : memref<100x128xi32, #tpu.memory_space<vmem>>, vector<1x16xi32>,
      %parallel_loop3A_189 = arith.index_cast %parallel_loop3A_92 : i32 to index
      %parallel_loop3A_190 = arith.constant 96 : index
      %parallel_loop3A_191 = tpu.vector_load %arg4[%parallel_loop3A_189, %parallel_loop3A_190] {strides = array<i32>} : memref<100x128xi32, #tpu.memory_space<vmem>>, vector<1x16xi32>,
      %parallel_loop3A_192 = vector.shape_cast %parallel_loop3A_191 : vector<1x16xi32> to vector<16xi32>
      %parallel_loop3A_193 = vector.bitcast %parallel_loop3A_192 : vector<16xi32> to vector<16xi32>
      %parallel_loop3A_194 = arith.constant 1000 : i32
      %parallel_loop3A_195 = vector.broadcast %parallel_loop3A_194 : i32 to vector<16xi32>
      %parallel_loop3A_196 = arith.cmpi ult, %parallel_loop3A_193, %parallel_loop3A_195 : vector<16xi32>
      %parallel_loop3A_197 = arith.constant -1 : i32
      %parallel_loop3A_198 = vector.broadcast %parallel_loop3A_197 : i32 to vector<16xi32>
      %parallel_loop3A_199 = arith.select %parallel_loop3A_196, %parallel_loop3A_192, %parallel_loop3A_198 : vector<16xi1>, vector<16xi32>
      %parallel_loop3A_200 = arith.index_cast %parallel_loop3A_92 : i32 to index
      %parallel_loop3A_201 = arith.constant 96 : index
      %parallel_loop3A_202 = tpu.vector_load %arg4[%parallel_loop3A_200, %parallel_loop3A_201] {strides = array<i32>} : memref<100x128xi32, #tpu.memory_space<vmem>>, vector<1x16xi32>,
      %parallel_loop3A_203 = vector.shape_cast %parallel_loop3A_202 : vector<1x16xi32> to vector<16xi32>
      %parallel_loop3A_204 = vector.shape_cast %parallel_loop3A_199 : vector<16xi32> to vector<1x16xi32>
      tpu.vector_store %arg4[%parallel_loop3A_200, %parallel_loop3A_201], %parallel_loop3A_204 {strides = array<i32>} : memref<100x128xi32, #tpu.memory_space<vmem>>, vector<1x16xi32>,
      %parallel_loop3A_205 = arith.index_cast %parallel_loop3A_92 : i32 to index
      %parallel_loop3A_206 = arith.constant 112 : index
      %parallel_loop3A_207 = tpu.vector_load %arg4[%parallel_loop3A_205, %parallel_loop3A_206] {strides = array<i32>} : memref<100x128xi32, #tpu.memory_space<vmem>>, vector<1x16xi32>,
      %parallel_loop3A_208 = vector.shape_cast %parallel_loop3A_207 : vector<1x16xi32> to vector<16xi32>
      %parallel_loop3A_209 = vector.bitcast %parallel_loop3A_208 : vector<16xi32> to vector<16xi32>
      %parallel_loop3A_210 = arith.constant 1000 : i32
      %parallel_loop3A_211 = vector.broadcast %parallel_loop3A_210 : i32 to vector<16xi32>
      %parallel_loop3A_212 = arith.cmpi ult, %parallel_loop3A_209, %parallel_loop3A_211 : vector<16xi32>
      %parallel_loop3A_213 = arith.constant -1 : i32
      %parallel_loop3A_214 = vector.broadcast %parallel_loop3A_213 : i32 to vector<16xi32>
      %parallel_loop3A_215 = arith.select %parallel_loop3A_212, %parallel_loop3A_208, %parallel_loop3A_214 : vector<16xi1>, vector<16xi32>
      %parallel_loop3A_216 = arith.index_cast %parallel_loop3A_92 : i32 to index
      %parallel_loop3A_217 = arith.constant 112 : index
      %parallel_loop3A_218 = tpu.vector_load %arg4[%parallel_loop3A_216, %parallel_loop3A_217] {strides = array<i32>} : memref<100x128xi32, #tpu.memory_space<vmem>>, vector<1x16xi32>,
      %parallel_loop3A_219 = vector.shape_cast %parallel_loop3A_218 : vector<1x16xi32> to vector<16xi32>
      %parallel_loop3A_220 = vector.shape_cast %parallel_loop3A_215 : vector<16xi32> to vector<1x16xi32>
      tpu.vector_store %arg4[%parallel_loop3A_216, %parallel_loop3A_217], %parallel_loop3A_220 {strides = array<i32>} : memref<100x128xi32, #tpu.memory_space<vmem>>, vector<1x16xi32>,
    } {sc.loop_unroll_factor = 2 : i64, sc.parallel_access}
    %add3A_31 = arith.constant 0 : i32
    %add3A_32 = arith.addi %mul3A_2, %add3A_31 : i32
    %dma_start3A_33 = arith.constant 0 : i32
    %dma_start3A_34 = tpu.memref_slice %arg3[%dma_start3A_33, %add3A_32] : memref<100x16384xi32, #tpu.memory_space<hbm>> -> memref<100x128xi32, #tpu.memory_space<hbm>>
    %dma_start3A_35 = arith.constant 0 : i32
    %dma_start3A_36 = tpu.memref_slice %arg3[%dma_start3A_35, %add3A_32] : memref<100x16384xi32, #tpu.memory_space<hbm>> -> memref<100x128xi32, #tpu.memory_space<hbm>>
    tpu.enqueue_dma source(%arg4 : memref<100x128xi32, #tpu.memory_space<vmem>>) target(%dma_start3A_36 : memref<100x128xi32, #tpu.memory_space<hbm>>) target_semaphore(%arg12 : memref<!tpu.dma_semaphore, #tpu.memory_space<semaphore_mem>>)
    %dma_wait3A_37 = arith.constant 0 : i32
    %dma_wait3A_38 = tpu.memref_slice %arg2[%dma_wait3A_37, %add3A_9] : memref<100x16384xi32, #tpu.memory_space<hbm>> -> memref<100x128xi32, #tpu.memory_space<hbm>>
    %dma_wait3A_39 = arith.constant 0 : i32
    %dma_wait3A_40 = tpu.memref_slice %arg2[%dma_wait3A_39, %add3A_9] : memref<100x16384xi32, #tpu.memory_space<hbm>> -> memref<100x128xi32, #tpu.memory_space<hbm>>
    tpu.wait_dma2 semaphore(%arg9 : memref<!tpu.dma_semaphore, #tpu.memory_space<semaphore_mem>>) src(%dma_wait3A_40 : memref<100x128xi32, #tpu.memory_space<hbm>>) dst(%arg5 : memref<100x128xi32, #tpu.memory_space<vmem>>)
    %parallel_loop3A_41 = arith.constant 0 : i32
    %parallel_loop3A_42 = arith.constant 100 : i32
    %parallel_loop3A_43 = arith.constant 1 : i32
    scf.for %parallel_loop3A_92 = %parallel_loop3A_41 to %parallel_loop3A_42 step %parallel_loop3A_43  : i32 {
      %parallel_loop3A_93 = arith.index_cast %parallel_loop3A_92 : i32 to index
      %parallel_loop3A_94 = arith.constant 0 : index
      %parallel_loop3A_95 = tpu.vector_load %arg5[%parallel_loop3A_93, %parallel_loop3A_94] {strides = array<i32>} : memref<100x128xi32, #tpu.memory_space<vmem>>, vector<1x16xi32>,
      %parallel_loop3A_96 = vector.shape_cast %parallel_loop3A_95 : vector<1x16xi32> to vector<16xi32>
      %parallel_loop3A_97 = vector.bitcast %parallel_loop3A_96 : vector<16xi32> to vector<16xi32>
      %parallel_loop3A_98 = arith.constant 1000 : i32
      %parallel_loop3A_99 = vector.broadcast %parallel_loop3A_98 : i32 to vector<16xi32>
      %parallel_loop3A_100 = arith.cmpi ult, %parallel_loop3A_97, %parallel_loop3A_99 : vector<16xi32>
      %parallel_loop3A_101 = arith.constant -1 : i32
      %parallel_loop3A_102 = vector.broadcast %parallel_loop3A_101 : i32 to vector<16xi32>
      %parallel_loop3A_103 = arith.select %parallel_loop3A_100, %parallel_loop3A_96, %parallel_loop3A_102 : vector<16xi1>, vector<16xi32>
      %parallel_loop3A_104 = arith.index_cast %parallel_loop3A_92 : i32 to index
      %parallel_loop3A_105 = arith.constant 0 : index
      %parallel_loop3A_106 = tpu.vector_load %arg5[%parallel_loop3A_104, %parallel_loop3A_105] {strides = array<i32>} : memref<100x128xi32, #tpu.memory_space<vmem>>, vector<1x16xi32>,
      %parallel_loop3A_107 = vector.shape_cast %parallel_loop3A_106 : vector<1x16xi32> to vector<16xi32>
      %parallel_loop3A_108 = vector.shape_cast %parallel_loop3A_103 : vector<16xi32> to vector<1x16xi32>
      tpu.vector_store %arg5[%parallel_loop3A_104, %parallel_loop3A_105], %parallel_loop3A_108 {strides = array<i32>} : memref<100x128xi32, #tpu.memory_space<vmem>>, vector<1x16xi32>,
      %parallel_loop3A_109 = arith.index_cast %parallel_loop3A_92 : i32 to index
      %parallel_loop3A_110 = arith.constant 16 : index
      %parallel_loop3A_111 = tpu.vector_load %arg5[%parallel_loop3A_109, %parallel_loop3A_110] {strides = array<i32>} : memref<100x128xi32, #tpu.memory_space<vmem>>, vector<1x16xi32>,
      %parallel_loop3A_112 = vector.shape_cast %parallel_loop3A_111 : vector<1x16xi32> to vector<16xi32>
      %parallel_loop3A_113 = vector.bitcast %parallel_loop3A_112 : vector<16xi32> to vector<16xi32>
      %parallel_loop3A_114 = arith.constant 1000 : i32
      %parallel_loop3A_115 = vector.broadcast %parallel_loop3A_114 : i32 to vector<16xi32>
      %parallel_loop3A_116 = arith.cmpi ult, %parallel_loop3A_113, %parallel_loop3A_115 : vector<16xi32>
      %parallel_loop3A_117 = arith.constant -1 : i32
      %parallel_loop3A_118 = vector.broadcast %parallel_loop3A_117 : i32 to vector<16xi32>
      %parallel_loop3A_119 = arith.select %parallel_loop3A_116, %parallel_loop3A_112, %parallel_loop3A_118 : vector<16xi1>, vector<16xi32>
      %parallel_loop3A_120 = arith.index_cast %parallel_loop3A_92 : i32 to index
      %parallel_loop3A_121 = arith.constant 16 : index
      %parallel_loop3A_122 = tpu.vector_load %arg5[%parallel_loop3A_120, %parallel_loop3A_121] {strides = array<i32>} : memref<100x128xi32, #tpu.memory_space<vmem>>, vector<1x16xi32>,
      %parallel_loop3A_123 = vector.shape_cast %parallel_loop3A_122 : vector<1x16xi32> to vector<16xi32>
      %parallel_loop3A_124 = vector.shape_cast %parallel_loop3A_119 : vector<16xi32> to vector<1x16xi32>
      tpu.vector_store %arg5[%parallel_loop3A_120, %parallel_loop3A_121], %parallel_loop3A_124 {strides = array<i32>} : memref<100x128xi32, #tpu.memory_space<vmem>>, vector<1x16xi32>,
      %parallel_loop3A_125 = arith.index_cast %parallel_loop3A_92 : i32 to index
      %parallel_loop3A_126 = arith.constant 32 : index
      %parallel_loop3A_127 = tpu.vector_load %arg5[%parallel_loop3A_125, %parallel_loop3A_126] {strides = array<i32>} : memref<100x128xi32, #tpu.memory_space<vmem>>, vector<1x16xi32>,
      %parallel_loop3A_128 = vector.shape_cast %parallel_loop3A_127 : vector<1x16xi32> to vector<16xi32>
      %parallel_loop3A_129 = vector.bitcast %parallel_loop3A_128 : vector<16xi32> to vector<16xi32>
      %parallel_loop3A_130 = arith.constant 1000 : i32
      %parallel_loop3A_131 = vector.broadcast %parallel_loop3A_130 : i32 to vector<16xi32>
      %parallel_loop3A_132 = arith.cmpi ult, %parallel_loop3A_129, %parallel_loop3A_131 : vector<16xi32>
      %parallel_loop3A_133 = arith.constant -1 : i32
      %parallel_loop3A_134 = vector.broadcast %parallel_loop3A_133 : i32 to vector<16xi32>
      %parallel_loop3A_135 = arith.select %parallel_loop3A_132, %parallel_loop3A_128, %parallel_loop3A_134 : vector<16xi1>, vector<16xi32>
      %parallel_loop3A_136 = arith.index_cast %parallel_loop3A_92 : i32 to index
      %parallel_loop3A_137 = arith.constant 32 : index
      %parallel_loop3A_138 = tpu.vector_load %arg5[%parallel_loop3A_136, %parallel_loop3A_137] {strides = array<i32>} : memref<100x128xi32, #tpu.memory_space<vmem>>, vector<1x16xi32>,
      %parallel_loop3A_139 = vector.shape_cast %parallel_loop3A_138 : vector<1x16xi32> to vector<16xi32>
      %parallel_loop3A_140 = vector.shape_cast %parallel_loop3A_135 : vector<16xi32> to vector<1x16xi32>
      tpu.vector_store %arg5[%parallel_loop3A_136, %parallel_loop3A_137], %parallel_loop3A_140 {strides = array<i32>} : memref<100x128xi32, #tpu.memory_space<vmem>>, vector<1x16xi32>,
      %parallel_loop3A_141 = arith.index_cast %parallel_loop3A_92 : i32 to index
      %parallel_loop3A_142 = arith.constant 48 : index
      %parallel_loop3A_143 = tpu.vector_load %arg5[%parallel_loop3A_141, %parallel_loop3A_142] {strides = array<i32>} : memref<100x128xi32, #tpu.memory_space<vmem>>, vector<1x16xi32>,
      %parallel_loop3A_144 = vector.shape_cast %parallel_loop3A_143 : vector<1x16xi32> to vector<16xi32>
      %parallel_loop3A_145 = vector.bitcast %parallel_loop3A_144 : vector<16xi32> to vector<16xi32>
      %parallel_loop3A_146 = arith.constant 1000 : i32
      %parallel_loop3A_147 = vector.broadcast %parallel_loop3A_146 : i32 to vector<16xi32>
      %parallel_loop3A_148 = arith.cmpi ult, %parallel_loop3A_145, %parallel_loop3A_147 : vector<16xi32>
      %parallel_loop3A_149 = arith.constant -1 : i32
      %parallel_loop3A_150 = vector.broadcast %parallel_loop3A_149 : i32 to vector<16xi32>
      %parallel_loop3A_151 = arith.select %parallel_loop3A_148, %parallel_loop3A_144, %parallel_loop3A_150 : vector<16xi1>, vector<16xi32>
      %parallel_loop3A_152 = arith.index_cast %parallel_loop3A_92 : i32 to index
      %parallel_loop3A_153 = arith.constant 48 : index
      %parallel_loop3A_154 = tpu.vector_load %arg5[%parallel_loop3A_152, %parallel_loop3A_153] {strides = array<i32>} : memref<100x128xi32, #tpu.memory_space<vmem>>, vector<1x16xi32>,
      %parallel_loop3A_155 = vector.shape_cast %parallel_loop3A_154 : vector<1x16xi32> to vector<16xi32>
      %parallel_loop3A_156 = vector.shape_cast %parallel_loop3A_151 : vector<16xi32> to vector<1x16xi32>
      tpu.vector_store %arg5[%parallel_loop3A_152, %parallel_loop3A_153], %parallel_loop3A_156 {strides = array<i32>} : memref<100x128xi32, #tpu.memory_space<vmem>>, vector<1x16xi32>,
      %parallel_loop3A_157 = arith.index_cast %parallel_loop3A_92 : i32 to index
      %parallel_loop3A_158 = arith.constant 64 : index
      %parallel_loop3A_159 = tpu.vector_load %arg5[%parallel_loop3A_157, %parallel_loop3A_158] {strides = array<i32>} : memref<100x128xi32, #tpu.memory_space<vmem>>, vector<1x16xi32>,
      %parallel_loop3A_160 = vector.shape_cast %parallel_loop3A_159 : vector<1x16xi32> to vector<16xi32>
      %parallel_loop3A_161 = vector.bitcast %parallel_loop3A_160 : vector<16xi32> to vector<16xi32>
      %parallel_loop3A_162 = arith.constant 1000 : i32
      %parallel_loop3A_163 = vector.broadcast %parallel_loop3A_162 : i32 to vector<16xi32>
      %parallel_loop3A_164 = arith.cmpi ult, %parallel_loop3A_161, %parallel_loop3A_163 : vector<16xi32>
      %parallel_loop3A_165 = arith.constant -1 : i32
      %parallel_loop3A_166 = vector.broadcast %parallel_loop3A_165 : i32 to vector<16xi32>
      %parallel_loop3A_167 = arith.select %parallel_loop3A_164, %parallel_loop3A_160, %parallel_loop3A_166 : vector<16xi1>, vector<16xi32>
      %parallel_loop3A_168 = arith.index_cast %parallel_loop3A_92 : i32 to index
      %parallel_loop3A_169 = arith.constant 64 : index
      %parallel_loop3A_170 = tpu.vector_load %arg5[%parallel_loop3A_168, %parallel_loop3A_169] {strides = array<i32>} : memref<100x128xi32, #tpu.memory_space<vmem>>, vector<1x16xi32>,
      %parallel_loop3A_171 = vector.shape_cast %parallel_loop3A_170 : vector<1x16xi32> to vector<16xi32>
      %parallel_loop3A_172 = vector.shape_cast %parallel_loop3A_167 : vector<16xi32> to vector<1x16xi32>
      tpu.vector_store %arg5[%parallel_loop3A_168, %parallel_loop3A_169], %parallel_loop3A_172 {strides = array<i32>} : memref<100x128xi32, #tpu.memory_space<vmem>>, vector<1x16xi32>,
      %parallel_loop3A_173 = arith.index_cast %parallel_loop3A_92 : i32 to index
      %parallel_loop3A_174 = arith.constant 80 : index
      %parallel_loop3A_175 = tpu.vector_load %arg5[%parallel_loop3A_173, %parallel_loop3A_174] {strides = array<i32>} : memref<100x128xi32, #tpu.memory_space<vmem>>, vector<1x16xi32>,
      %parallel_loop3A_176 = vector.shape_cast %parallel_loop3A_175 : vector<1x16xi32> to vector<16xi32>
      %parallel_loop3A_177 = vector.bitcast %parallel_loop3A_176 : vector<16xi32> to vector<16xi32>
      %parallel_loop3A_178 = arith.constant 1000 : i32
      %parallel_loop3A_179 = vector.broadcast %parallel_loop3A_178 : i32 to vector<16xi32>
      %parallel_loop3A_180 = arith.cmpi ult, %parallel_loop3A_177, %parallel_loop3A_179 : vector<16xi32>
      %parallel_loop3A_181 = arith.constant -1 : i32
      %parallel_loop3A_182 = vector.broadcast %parallel_loop3A_181 : i32 to vector<16xi32>
      %parallel_loop3A_183 = arith.select %parallel_loop3A_180, %parallel_loop3A_176, %parallel_loop3A_182 : vector<16xi1>, vector<16xi32>
      %parallel_loop3A_184 = arith.index_cast %parallel_loop3A_92 : i32 to index
      %parallel_loop3A_185 = arith.constant 80 : index
      %parallel_loop3A_186 = tpu.vector_load %arg5[%parallel_loop3A_184, %parallel_loop3A_185] {strides = array<i32>} : memref<100x128xi32, #tpu.memory_space<vmem>>, vector<1x16xi32>,
      %parallel_loop3A_187 = vector.shape_cast %parallel_loop3A_186 : vector<1x16xi32> to vector<16xi32>
      %parallel_loop3A_188 = vector.shape_cast %parallel_loop3A_183 : vector<16xi32> to vector<1x16xi32>
      tpu.vector_store %arg5[%parallel_loop3A_184, %parallel_loop3A_185], %parallel_loop3A_188 {strides = array<i32>} : memref<100x128xi32, #tpu.memory_space<vmem>>, vector<1x16xi32>,
      %parallel_loop3A_189 = arith.index_cast %parallel_loop3A_92 : i32 to index
      %parallel_loop3A_190 = arith.constant 96 : index
      %parallel_loop3A_191 = tpu.vector_load %arg5[%parallel_loop3A_189, %parallel_loop3A_190] {strides = array<i32>} : memref<100x128xi32, #tpu.memory_space<vmem>>, vector<1x16xi32>,
      %parallel_loop3A_192 = vector.shape_cast %parallel_loop3A_191 : vector<1x16xi32> to vector<16xi32>
      %parallel_loop3A_193 = vector.bitcast %parallel_loop3A_192 : vector<16xi32> to vector<16xi32>
      %parallel_loop3A_194 = arith.constant 1000 : i32
      %parallel_loop3A_195 = vector.broadcast %parallel_loop3A_194 : i32 to vector<16xi32>
      %parallel_loop3A_196 = arith.cmpi ult, %parallel_loop3A_193, %parallel_loop3A_195 : vector<16xi32>
      %parallel_loop3A_197 = arith.constant -1 : i32
      %parallel_loop3A_198 = vector.broadcast %parallel_loop3A_197 : i32 to vector<16xi32>
      %parallel_loop3A_199 = arith.select %parallel_loop3A_196, %parallel_loop3A_192, %parallel_loop3A_198 : vector<16xi1>, vector<16xi32>
      %parallel_loop3A_200 = arith.index_cast %parallel_loop3A_92 : i32 to index
      %parallel_loop3A_201 = arith.constant 96 : index
      %parallel_loop3A_202 = tpu.vector_load %arg5[%parallel_loop3A_200, %parallel_loop3A_201] {strides = array<i32>} : memref<100x128xi32, #tpu.memory_space<vmem>>, vector<1x16xi32>,
      %parallel_loop3A_203 = vector.shape_cast %parallel_loop3A_202 : vector<1x16xi32> to vector<16xi32>
      %parallel_loop3A_204 = vector.shape_cast %parallel_loop3A_199 : vector<16xi32> to vector<1x16xi32>
      tpu.vector_store %arg5[%parallel_loop3A_200, %parallel_loop3A_201], %parallel_loop3A_204 {strides = array<i32>} : memref<100x128xi32, #tpu.memory_space<vmem>>, vector<1x16xi32>,
      %parallel_loop3A_205 = arith.index_cast %parallel_loop3A_92 : i32 to index
      %parallel_loop3A_206 = arith.constant 112 : index
      %parallel_loop3A_207 = tpu.vector_load %arg5[%parallel_loop3A_205, %parallel_loop3A_206] {strides = array<i32>} : memref<100x128xi32, #tpu.memory_space<vmem>>, vector<1x16xi32>,
      %parallel_loop3A_208 = vector.shape_cast %parallel_loop3A_207 : vector<1x16xi32> to vector<16xi32>
      %parallel_loop3A_209 = vector.bitcast %parallel_loop3A_208 : vector<16xi32> to vector<16xi32>
      %parallel_loop3A_210 = arith.constant 1000 : i32
      %parallel_loop3A_211 = vector.broadcast %parallel_loop3A_210 : i32 to vector<16xi32>
      %parallel_loop3A_212 = arith.cmpi ult, %parallel_loop3A_209, %parallel_loop3A_211 : vector<16xi32>
      %parallel_loop3A_213 = arith.constant -1 : i32
      %parallel_loop3A_214 = vector.broadcast %parallel_loop3A_213 : i32 to vector<16xi32>
      %parallel_loop3A_215 = arith.select %parallel_loop3A_212, %parallel_loop3A_208, %parallel_loop3A_214 : vector<16xi1>, vector<16xi32>
      %parallel_loop3A_216 = arith.index_cast %parallel_loop3A_92 : i32 to index
      %parallel_loop3A_217 = arith.constant 112 : index
      %parallel_loop3A_218 = tpu.vector_load %arg5[%parallel_loop3A_216, %parallel_loop3A_217] {strides = array<i32>} : memref<100x128xi32, #tpu.memory_space<vmem>>, vector<1x16xi32>,
      %parallel_loop3A_219 = vector.shape_cast %parallel_loop3A_218 : vector<1x16xi32> to vector<16xi32>
      %parallel_loop3A_220 = vector.shape_cast %parallel_loop3A_215 : vector<16xi32> to vector<1x16xi32>
      tpu.vector_store %arg5[%parallel_loop3A_216, %parallel_loop3A_217], %parallel_loop3A_220 {strides = array<i32>} : memref<100x128xi32, #tpu.memory_space<vmem>>, vector<1x16xi32>,
    } {sc.loop_unroll_factor = 2 : i64, sc.parallel_access}
    %add3A_44 = arith.constant 128 : i32
    %add3A_45 = arith.addi %mul3A_2, %add3A_44 : i32
    %dma_start3A_46 = arith.constant 0 : i32
    %dma_start3A_47 = tpu.memref_slice %arg3[%dma_start3A_46, %add3A_45] : memref<100x16384xi32, #tpu.memory_space<hbm>> -> memref<100x128xi32, #tpu.memory_space<hbm>>
    %dma_start3A_48 = arith.constant 0 : i32
    %dma_start3A_49 = tpu.memref_slice %arg3[%dma_start3A_48, %add3A_45] : memref<100x16384xi32, #tpu.memory_space<hbm>> -> memref<100x128xi32, #tpu.memory_space<hbm>>
    tpu.enqueue_dma source(%arg5 : memref<100x128xi32, #tpu.memory_space<vmem>>) target(%dma_start3A_49 : memref<100x128xi32, #tpu.memory_space<hbm>>) target_semaphore(%arg13 : memref<!tpu.dma_semaphore, #tpu.memory_space<semaphore_mem>>)
    %dma_wait3A_50 = arith.constant 0 : i32
    %dma_wait3A_51 = tpu.memref_slice %arg2[%dma_wait3A_50, %add3A_15] : memref<100x16384xi32, #tpu.memory_space<hbm>> -> memref<100x128xi32, #tpu.memory_space<hbm>>
    %dma_wait3A_52 = arith.constant 0 : i32
    %dma_wait3A_53 = tpu.memref_slice %arg2[%dma_wait3A_52, %add3A_15] : memref<100x16384xi32, #tpu.memory_space<hbm>> -> memref<100x128xi32, #tpu.memory_space<hbm>>
    tpu.wait_dma2 semaphore(%arg10 : memref<!tpu.dma_semaphore, #tpu.memory_space<semaphore_mem>>) src(%dma_wait3A_53 : memref<100x128xi32, #tpu.memory_space<hbm>>) dst(%arg6 : memref<100x128xi32, #tpu.memory_space<vmem>>)
    %parallel_loop3A_54 = arith.constant 0 : i32
    %parallel_loop3A_55 = arith.constant 100 : i32
    %parallel_loop3A_56 = arith.constant 1 : i32
    scf.for %parallel_loop3A_92 = %parallel_loop3A_54 to %parallel_loop3A_55 step %parallel_loop3A_56  : i32 {
      %parallel_loop3A_93 = arith.index_cast %parallel_loop3A_92 : i32 to index
      %parallel_loop3A_94 = arith.constant 0 : index
      %parallel_loop3A_95 = tpu.vector_load %arg6[%parallel_loop3A_93, %parallel_loop3A_94] {strides = array<i32>} : memref<100x128xi32, #tpu.memory_space<vmem>>, vector<1x16xi32>,
      %parallel_loop3A_96 = vector.shape_cast %parallel_loop3A_95 : vector<1x16xi32> to vector<16xi32>
      %parallel_loop3A_97 = vector.bitcast %parallel_loop3A_96 : vector<16xi32> to vector<16xi32>
      %parallel_loop3A_98 = arith.constant 1000 : i32
      %parallel_loop3A_99 = vector.broadcast %parallel_loop3A_98 : i32 to vector<16xi32>
      %parallel_loop3A_100 = arith.cmpi ult, %parallel_loop3A_97, %parallel_loop3A_99 : vector<16xi32>
      %parallel_loop3A_101 = arith.constant -1 : i32
      %parallel_loop3A_102 = vector.broadcast %parallel_loop3A_101 : i32 to vector<16xi32>
      %parallel_loop3A_103 = arith.select %parallel_loop3A_100, %parallel_loop3A_96, %parallel_loop3A_102 : vector<16xi1>, vector<16xi32>
      %parallel_loop3A_104 = arith.index_cast %parallel_loop3A_92 : i32 to index
      %parallel_loop3A_105 = arith.constant 0 : index
      %parallel_loop3A_106 = tpu.vector_load %arg6[%parallel_loop3A_104, %parallel_loop3A_105] {strides = array<i32>} : memref<100x128xi32, #tpu.memory_space<vmem>>, vector<1x16xi32>,
      %parallel_loop3A_107 = vector.shape_cast %parallel_loop3A_106 : vector<1x16xi32> to vector<16xi32>
      %parallel_loop3A_108 = vector.shape_cast %parallel_loop3A_103 : vector<16xi32> to vector<1x16xi32>
      tpu.vector_store %arg6[%parallel_loop3A_104, %parallel_loop3A_105], %parallel_loop3A_108 {strides = array<i32>} : memref<100x128xi32, #tpu.memory_space<vmem>>, vector<1x16xi32>,
      %parallel_loop3A_109 = arith.index_cast %parallel_loop3A_92 : i32 to index
      %parallel_loop3A_110 = arith.constant 16 : index
      %parallel_loop3A_111 = tpu.vector_load %arg6[%parallel_loop3A_109, %parallel_loop3A_110] {strides = array<i32>} : memref<100x128xi32, #tpu.memory_space<vmem>>, vector<1x16xi32>,
      %parallel_loop3A_112 = vector.shape_cast %parallel_loop3A_111 : vector<1x16xi32> to vector<16xi32>
      %parallel_loop3A_113 = vector.bitcast %parallel_loop3A_112 : vector<16xi32> to vector<16xi32>
      %parallel_loop3A_114 = arith.constant 1000 : i32
      %parallel_loop3A_115 = vector.broadcast %parallel_loop3A_114 : i32 to vector<16xi32>
      %parallel_loop3A_116 = arith.cmpi ult, %parallel_loop3A_113, %parallel_loop3A_115 : vector<16xi32>
      %parallel_loop3A_117 = arith.constant -1 : i32
      %parallel_loop3A_118 = vector.broadcast %parallel_loop3A_117 : i32 to vector<16xi32>
      %parallel_loop3A_119 = arith.select %parallel_loop3A_116, %parallel_loop3A_112, %parallel_loop3A_118 : vector<16xi1>, vector<16xi32>
      %parallel_loop3A_120 = arith.index_cast %parallel_loop3A_92 : i32 to index
      %parallel_loop3A_121 = arith.constant 16 : index
      %parallel_loop3A_122 = tpu.vector_load %arg6[%parallel_loop3A_120, %parallel_loop3A_121] {strides = array<i32>} : memref<100x128xi32, #tpu.memory_space<vmem>>, vector<1x16xi32>,
      %parallel_loop3A_123 = vector.shape_cast %parallel_loop3A_122 : vector<1x16xi32> to vector<16xi32>
      %parallel_loop3A_124 = vector.shape_cast %parallel_loop3A_119 : vector<16xi32> to vector<1x16xi32>
      tpu.vector_store %arg6[%parallel_loop3A_120, %parallel_loop3A_121], %parallel_loop3A_124 {strides = array<i32>} : memref<100x128xi32, #tpu.memory_space<vmem>>, vector<1x16xi32>,
      %parallel_loop3A_125 = arith.index_cast %parallel_loop3A_92 : i32 to index
      %parallel_loop3A_126 = arith.constant 32 : index
      %parallel_loop3A_127 = tpu.vector_load %arg6[%parallel_loop3A_125, %parallel_loop3A_126] {strides = array<i32>} : memref<100x128xi32, #tpu.memory_space<vmem>>, vector<1x16xi32>,
      %parallel_loop3A_128 = vector.shape_cast %parallel_loop3A_127 : vector<1x16xi32> to vector<16xi32>
      %parallel_loop3A_129 = vector.bitcast %parallel_loop3A_128 : vector<16xi32> to vector<16xi32>
      %parallel_loop3A_130 = arith.constant 1000 : i32
      %parallel_loop3A_131 = vector.broadcast %parallel_loop3A_130 : i32 to vector<16xi32>
      %parallel_loop3A_132 = arith.cmpi ult, %parallel_loop3A_129, %parallel_loop3A_131 : vector<16xi32>
      %parallel_loop3A_133 = arith.constant -1 : i32
      %parallel_loop3A_134 = vector.broadcast %parallel_loop3A_133 : i32 to vector<16xi32>
      %parallel_loop3A_135 = arith.select %parallel_loop3A_132, %parallel_loop3A_128, %parallel_loop3A_134 : vector<16xi1>, vector<16xi32>
      %parallel_loop3A_136 = arith.index_cast %parallel_loop3A_92 : i32 to index
      %parallel_loop3A_137 = arith.constant 32 : index
      %parallel_loop3A_138 = tpu.vector_load %arg6[%parallel_loop3A_136, %parallel_loop3A_137] {strides = array<i32>} : memref<100x128xi32, #tpu.memory_space<vmem>>, vector<1x16xi32>,
      %parallel_loop3A_139 = vector.shape_cast %parallel_loop3A_138 : vector<1x16xi32> to vector<16xi32>
      %parallel_loop3A_140 = vector.shape_cast %parallel_loop3A_135 : vector<16xi32> to vector<1x16xi32>
      tpu.vector_store %arg6[%parallel_loop3A_136, %parallel_loop3A_137], %parallel_loop3A_140 {strides = array<i32>} : memref<100x128xi32, #tpu.memory_space<vmem>>, vector<1x16xi32>,
      %parallel_loop3A_141 = arith.index_cast %parallel_loop3A_92 : i32 to index
      %parallel_loop3A_142 = arith.constant 48 : index
      %parallel_loop3A_143 = tpu.vector_load %arg6[%parallel_loop3A_141, %parallel_loop3A_142] {strides = array<i32>} : memref<100x128xi32, #tpu.memory_space<vmem>>, vector<1x16xi32>,
      %parallel_loop3A_144 = vector.shape_cast %parallel_loop3A_143 : vector<1x16xi32> to vector<16xi32>
      %parallel_loop3A_145 = vector.bitcast %parallel_loop3A_144 : vector<16xi32> to vector<16xi32>
      %parallel_loop3A_146 = arith.constant 1000 : i32
      %parallel_loop3A_147 = vector.broadcast %parallel_loop3A_146 : i32 to vector<16xi32>
      %parallel_loop3A_148 = arith.cmpi ult, %parallel_loop3A_145, %parallel_loop3A_147 : vector<16xi32>
      %parallel_loop3A_149 = arith.constant -1 : i32
      %parallel_loop3A_150 = vector.broadcast %parallel_loop3A_149 : i32 to vector<16xi32>
      %parallel_loop3A_151 = arith.select %parallel_loop3A_148, %parallel_loop3A_144, %parallel_loop3A_150 : vector<16xi1>, vector<16xi32>
      %parallel_loop3A_152 = arith.index_cast %parallel_loop3A_92 : i32 to index
      %parallel_loop3A_153 = arith.constant 48 : index
      %parallel_loop3A_154 = tpu.vector_load %arg6[%parallel_loop3A_152, %parallel_loop3A_153] {strides = array<i32>} : memref<100x128xi32, #tpu.memory_space<vmem>>, vector<1x16xi32>,
      %parallel_loop3A_155 = vector.shape_cast %parallel_loop3A_154 : vector<1x16xi32> to vector<16xi32>
      %parallel_loop3A_156 = vector.shape_cast %parallel_loop3A_151 : vector<16xi32> to vector<1x16xi32>
      tpu.vector_store %arg6[%parallel_loop3A_152, %parallel_loop3A_153], %parallel_loop3A_156 {strides = array<i32>} : memref<100x128xi32, #tpu.memory_space<vmem>>, vector<1x16xi32>,
      %parallel_loop3A_157 = arith.index_cast %parallel_loop3A_92 : i32 to index
      %parallel_loop3A_158 = arith.constant 64 : index
      %parallel_loop3A_159 = tpu.vector_load %arg6[%parallel_loop3A_157, %parallel_loop3A_158] {strides = array<i32>} : memref<100x128xi32, #tpu.memory_space<vmem>>, vector<1x16xi32>,
      %parallel_loop3A_160 = vector.shape_cast %parallel_loop3A_159 : vector<1x16xi32> to vector<16xi32>
      %parallel_loop3A_161 = vector.bitcast %parallel_loop3A_160 : vector<16xi32> to vector<16xi32>
      %parallel_loop3A_162 = arith.constant 1000 : i32
      %parallel_loop3A_163 = vector.broadcast %parallel_loop3A_162 : i32 to vector<16xi32>
      %parallel_loop3A_164 = arith.cmpi ult, %parallel_loop3A_161, %parallel_loop3A_163 : vector<16xi32>
      %parallel_loop3A_165 = arith.constant -1 : i32
      %parallel_loop3A_166 = vector.broadcast %parallel_loop3A_165 : i32 to vector<16xi32>
      %parallel_loop3A_167 = arith.select %parallel_loop3A_164, %parallel_loop3A_160, %parallel_loop3A_166 : vector<16xi1>, vector<16xi32>
      %parallel_loop3A_168 = arith.index_cast %parallel_loop3A_92 : i32 to index
      %parallel_loop3A_169 = arith.constant 64 : index
      %parallel_loop3A_170 = tpu.vector_load %arg6[%parallel_loop3A_168, %parallel_loop3A_169] {strides = array<i32>} : memref<100x128xi32, #tpu.memory_space<vmem>>, vector<1x16xi32>,
      %parallel_loop3A_171 = vector.shape_cast %parallel_loop3A_170 : vector<1x16xi32> to vector<16xi32>
      %parallel_loop3A_172 = vector.shape_cast %parallel_loop3A_167 : vector<16xi32> to vector<1x16xi32>
      tpu.vector_store %arg6[%parallel_loop3A_168, %parallel_loop3A_169], %parallel_loop3A_172 {strides = array<i32>} : memref<100x128xi32, #tpu.memory_space<vmem>>, vector<1x16xi32>,
      %parallel_loop3A_173 = arith.index_cast %parallel_loop3A_92 : i32 to index
      %parallel_loop3A_174 = arith.constant 80 : index
      %parallel_loop3A_175 = tpu.vector_load %arg6[%parallel_loop3A_173, %parallel_loop3A_174] {strides = array<i32>} : memref<100x128xi32, #tpu.memory_space<vmem>>, vector<1x16xi32>,
      %parallel_loop3A_176 = vector.shape_cast %parallel_loop3A_175 : vector<1x16xi32> to vector<16xi32>
      %parallel_loop3A_177 = vector.bitcast %parallel_loop3A_176 : vector<16xi32> to vector<16xi32>
      %parallel_loop3A_178 = arith.constant 1000 : i32
      %parallel_loop3A_179 = vector.broadcast %parallel_loop3A_178 : i32 to vector<16xi32>
      %parallel_loop3A_180 = arith.cmpi ult, %parallel_loop3A_177, %parallel_loop3A_179 : vector<16xi32>
      %parallel_loop3A_181 = arith.constant -1 : i32
      %parallel_loop3A_182 = vector.broadcast %parallel_loop3A_181 : i32 to vector<16xi32>
      %parallel_loop3A_183 = arith.select %parallel_loop3A_180, %parallel_loop3A_176, %parallel_loop3A_182 : vector<16xi1>, vector<16xi32>
      %parallel_loop3A_184 = arith.index_cast %parallel_loop3A_92 : i32 to index
      %parallel_loop3A_185 = arith.constant 80 : index
      %parallel_loop3A_186 = tpu.vector_load %arg6[%parallel_loop3A_184, %parallel_loop3A_185] {strides = array<i32>} : memref<100x128xi32, #tpu.memory_space<vmem>>, vector<1x16xi32>,
      %parallel_loop3A_187 = vector.shape_cast %parallel_loop3A_186 : vector<1x16xi32> to vector<16xi32>
      %parallel_loop3A_188 = vector.shape_cast %parallel_loop3A_183 : vector<16xi32> to vector<1x16xi32>
      tpu.vector_store %arg6[%parallel_loop3A_184, %parallel_loop3A_185], %parallel_loop3A_188 {strides = array<i32>} : memref<100x128xi32, #tpu.memory_space<vmem>>, vector<1x16xi32>,
      %parallel_loop3A_189 = arith.index_cast %parallel_loop3A_92 : i32 to index
      %parallel_loop3A_190 = arith.constant 96 : index
      %parallel_loop3A_191 = tpu.vector_load %arg6[%parallel_loop3A_189, %parallel_loop3A_190] {strides = array<i32>} : memref<100x128xi32, #tpu.memory_space<vmem>>, vector<1x16xi32>,
      %parallel_loop3A_192 = vector.shape_cast %parallel_loop3A_191 : vector<1x16xi32> to vector<16xi32>
      %parallel_loop3A_193 = vector.bitcast %parallel_loop3A_192 : vector<16xi32> to vector<16xi32>
      %parallel_loop3A_194 = arith.constant 1000 : i32
      %parallel_loop3A_195 = vector.broadcast %parallel_loop3A_194 : i32 to vector<16xi32>
      %parallel_loop3A_196 = arith.cmpi ult, %parallel_loop3A_193, %parallel_loop3A_195 : vector<16xi32>
      %parallel_loop3A_197 = arith.constant -1 : i32
      %parallel_loop3A_198 = vector.broadcast %parallel_loop3A_197 : i32 to vector<16xi32>
      %parallel_loop3A_199 = arith.select %parallel_loop3A_196, %parallel_loop3A_192, %parallel_loop3A_198 : vector<16xi1>, vector<16xi32>
      %parallel_loop3A_200 = arith.index_cast %parallel_loop3A_92 : i32 to index
      %parallel_loop3A_201 = arith.constant 96 : index
      %parallel_loop3A_202 = tpu.vector_load %arg6[%parallel_loop3A_200, %parallel_loop3A_201] {strides = array<i32>} : memref<100x128xi32, #tpu.memory_space<vmem>>, vector<1x16xi32>,
      %parallel_loop3A_203 = vector.shape_cast %parallel_loop3A_202 : vector<1x16xi32> to vector<16xi32>
      %parallel_loop3A_204 = vector.shape_cast %parallel_loop3A_199 : vector<16xi32> to vector<1x16xi32>
      tpu.vector_store %arg6[%parallel_loop3A_200, %parallel_loop3A_201], %parallel_loop3A_204 {strides = array<i32>} : memref<100x128xi32, #tpu.memory_space<vmem>>, vector<1x16xi32>,
      %parallel_loop3A_205 = arith.index_cast %parallel_loop3A_92 : i32 to index
      %parallel_loop3A_206 = arith.constant 112 : index
      %parallel_loop3A_207 = tpu.vector_load %arg6[%parallel_loop3A_205, %parallel_loop3A_206] {strides = array<i32>} : memref<100x128xi32, #tpu.memory_space<vmem>>, vector<1x16xi32>,
      %parallel_loop3A_208 = vector.shape_cast %parallel_loop3A_207 : vector<1x16xi32> to vector<16xi32>
      %parallel_loop3A_209 = vector.bitcast %parallel_loop3A_208 : vector<16xi32> to vector<16xi32>
      %parallel_loop3A_210 = arith.constant 1000 : i32
      %parallel_loop3A_211 = vector.broadcast %parallel_loop3A_210 : i32 to vector<16xi32>
      %parallel_loop3A_212 = arith.cmpi ult, %parallel_loop3A_209, %parallel_loop3A_211 : vector<16xi32>
      %parallel_loop3A_213 = arith.constant -1 : i32
      %parallel_loop3A_214 = vector.broadcast %parallel_loop3A_213 : i32 to vector<16xi32>
      %parallel_loop3A_215 = arith.select %parallel_loop3A_212, %parallel_loop3A_208, %parallel_loop3A_214 : vector<16xi1>, vector<16xi32>
      %parallel_loop3A_216 = arith.index_cast %parallel_loop3A_92 : i32 to index
      %parallel_loop3A_217 = arith.constant 112 : index
      %parallel_loop3A_218 = tpu.vector_load %arg6[%parallel_loop3A_216, %parallel_loop3A_217] {strides = array<i32>} : memref<100x128xi32, #tpu.memory_space<vmem>>, vector<1x16xi32>,
      %parallel_loop3A_219 = vector.shape_cast %parallel_loop3A_218 : vector<1x16xi32> to vector<16xi32>
      %parallel_loop3A_220 = vector.shape_cast %parallel_loop3A_215 : vector<16xi32> to vector<1x16xi32>
      tpu.vector_store %arg6[%parallel_loop3A_216, %parallel_loop3A_217], %parallel_loop3A_220 {strides = array<i32>} : memref<100x128xi32, #tpu.memory_space<vmem>>, vector<1x16xi32>,
    } {sc.loop_unroll_factor = 2 : i64, sc.parallel_access}
    %add3A_57 = arith.constant 256 : i32
    %add3A_58 = arith.addi %mul3A_2, %add3A_57 : i32
    %dma_start3A_59 = arith.constant 0 : i32
    %dma_start3A_60 = tpu.memref_slice %arg3[%dma_start3A_59, %add3A_58] : memref<100x16384xi32, #tpu.memory_space<hbm>> -> memref<100x128xi32, #tpu.memory_space<hbm>>
    %dma_start3A_61 = arith.constant 0 : i32
    %dma_start3A_62 = tpu.memref_slice %arg3[%dma_start3A_61, %add3A_58] : memref<100x16384xi32, #tpu.memory_space<hbm>> -> memref<100x128xi32, #tpu.memory_space<hbm>>
    tpu.enqueue_dma source(%arg6 : memref<100x128xi32, #tpu.memory_space<vmem>>) target(%dma_start3A_62 : memref<100x128xi32, #tpu.memory_space<hbm>>) target_semaphore(%arg14 : memref<!tpu.dma_semaphore, #tpu.memory_space<semaphore_mem>>)
    %dma_wait3A_63 = arith.constant 0 : i32
    %dma_wait3A_64 = tpu.memref_slice %arg2[%dma_wait3A_63, %add3A_21] : memref<100x16384xi32, #tpu.memory_space<hbm>> -> memref<100x128xi32, #tpu.memory_space<hbm>>
    %dma_wait3A_65 = arith.constant 0 : i32
    %dma_wait3A_66 = tpu.memref_slice %arg2[%dma_wait3A_65, %add3A_21] : memref<100x16384xi32, #tpu.memory_space<hbm>> -> memref<100x128xi32, #tpu.memory_space<hbm>>
    tpu.wait_dma2 semaphore(%arg11 : memref<!tpu.dma_semaphore, #tpu.memory_space<semaphore_mem>>) src(%dma_wait3A_66 : memref<100x128xi32, #tpu.memory_space<hbm>>) dst(%arg7 : memref<100x128xi32, #tpu.memory_space<vmem>>)
    %parallel_loop3A_67 = arith.constant 0 : i32
    %parallel_loop3A_68 = arith.constant 100 : i32
    %parallel_loop3A_69 = arith.constant 1 : i32
    scf.for %parallel_loop3A_92 = %parallel_loop3A_67 to %parallel_loop3A_68 step %parallel_loop3A_69  : i32 {
      %parallel_loop3A_93 = arith.index_cast %parallel_loop3A_92 : i32 to index
      %parallel_loop3A_94 = arith.constant 0 : index
      %parallel_loop3A_95 = tpu.vector_load %arg7[%parallel_loop3A_93, %parallel_loop3A_94] {strides = array<i32>} : memref<100x128xi32, #tpu.memory_space<vmem>>, vector<1x16xi32>,
      %parallel_loop3A_96 = vector.shape_cast %parallel_loop3A_95 : vector<1x16xi32> to vector<16xi32>
      %parallel_loop3A_97 = vector.bitcast %parallel_loop3A_96 : vector<16xi32> to vector<16xi32>
      %parallel_loop3A_98 = arith.constant 1000 : i32
      %parallel_loop3A_99 = vector.broadcast %parallel_loop3A_98 : i32 to vector<16xi32>
      %parallel_loop3A_100 = arith.cmpi ult, %parallel_loop3A_97, %parallel_loop3A_99 : vector<16xi32>
      %parallel_loop3A_101 = arith.constant -1 : i32
      %parallel_loop3A_102 = vector.broadcast %parallel_loop3A_101 : i32 to vector<16xi32>
      %parallel_loop3A_103 = arith.select %parallel_loop3A_100, %parallel_loop3A_96, %parallel_loop3A_102 : vector<16xi1>, vector<16xi32>
      %parallel_loop3A_104 = arith.index_cast %parallel_loop3A_92 : i32 to index
      %parallel_loop3A_105 = arith.constant 0 : index
      %parallel_loop3A_106 = tpu.vector_load %arg7[%parallel_loop3A_104, %parallel_loop3A_105] {strides = array<i32>} : memref<100x128xi32, #tpu.memory_space<vmem>>, vector<1x16xi32>,
      %parallel_loop3A_107 = vector.shape_cast %parallel_loop3A_106 : vector<1x16xi32> to vector<16xi32>
      %parallel_loop3A_108 = vector.shape_cast %parallel_loop3A_103 : vector<16xi32> to vector<1x16xi32>
      tpu.vector_store %arg7[%parallel_loop3A_104, %parallel_loop3A_105], %parallel_loop3A_108 {strides = array<i32>} : memref<100x128xi32, #tpu.memory_space<vmem>>, vector<1x16xi32>,
      %parallel_loop3A_109 = arith.index_cast %parallel_loop3A_92 : i32 to index
      %parallel_loop3A_110 = arith.constant 16 : index
      %parallel_loop3A_111 = tpu.vector_load %arg7[%parallel_loop3A_109, %parallel_loop3A_110] {strides = array<i32>} : memref<100x128xi32, #tpu.memory_space<vmem>>, vector<1x16xi32>,
      %parallel_loop3A_112 = vector.shape_cast %parallel_loop3A_111 : vector<1x16xi32> to vector<16xi32>
      %parallel_loop3A_113 = vector.bitcast %parallel_loop3A_112 : vector<16xi32> to vector<16xi32>
      %parallel_loop3A_114 = arith.constant 1000 : i32
      %parallel_loop3A_115 = vector.broadcast %parallel_loop3A_114 : i32 to vector<16xi32>
      %parallel_loop3A_116 = arith.cmpi ult, %parallel_loop3A_113, %parallel_loop3A_115 : vector<16xi32>
      %parallel_loop3A_117 = arith.constant -1 : i32
      %parallel_loop3A_118 = vector.broadcast %parallel_loop3A_117 : i32 to vector<16xi32>
      %parallel_loop3A_119 = arith.select %parallel_loop3A_116, %parallel_loop3A_112, %parallel_loop3A_118 : vector<16xi1>, vector<16xi32>
      %parallel_loop3A_120 = arith.index_cast %parallel_loop3A_92 : i32 to index
      %parallel_loop3A_121 = arith.constant 16 : index
      %parallel_loop3A_122 = tpu.vector_load %arg7[%parallel_loop3A_120, %parallel_loop3A_121] {strides = array<i32>} : memref<100x128xi32, #tpu.memory_space<vmem>>, vector<1x16xi32>,
      %parallel_loop3A_123 = vector.shape_cast %parallel_loop3A_122 : vector<1x16xi32> to vector<16xi32>
      %parallel_loop3A_124 = vector.shape_cast %parallel_loop3A_119 : vector<16xi32> to vector<1x16xi32>
      tpu.vector_store %arg7[%parallel_loop3A_120, %parallel_loop3A_121], %parallel_loop3A_124 {strides = array<i32>} : memref<100x128xi32, #tpu.memory_space<vmem>>, vector<1x16xi32>,
      %parallel_loop3A_125 = arith.index_cast %parallel_loop3A_92 : i32 to index
      %parallel_loop3A_126 = arith.constant 32 : index
      %parallel_loop3A_127 = tpu.vector_load %arg7[%parallel_loop3A_125, %parallel_loop3A_126] {strides = array<i32>} : memref<100x128xi32, #tpu.memory_space<vmem>>, vector<1x16xi32>,
      %parallel_loop3A_128 = vector.shape_cast %parallel_loop3A_127 : vector<1x16xi32> to vector<16xi32>
      %parallel_loop3A_129 = vector.bitcast %parallel_loop3A_128 : vector<16xi32> to vector<16xi32>
      %parallel_loop3A_130 = arith.constant 1000 : i32
      %parallel_loop3A_131 = vector.broadcast %parallel_loop3A_130 : i32 to vector<16xi32>
      %parallel_loop3A_132 = arith.cmpi ult, %parallel_loop3A_129, %parallel_loop3A_131 : vector<16xi32>
      %parallel_loop3A_133 = arith.constant -1 : i32
      %parallel_loop3A_134 = vector.broadcast %parallel_loop3A_133 : i32 to vector<16xi32>
      %parallel_loop3A_135 = arith.select %parallel_loop3A_132, %parallel_loop3A_128, %parallel_loop3A_134 : vector<16xi1>, vector<16xi32>
      %parallel_loop3A_136 = arith.index_cast %parallel_loop3A_92 : i32 to index
      %parallel_loop3A_137 = arith.constant 32 : index
      %parallel_loop3A_138 = tpu.vector_load %arg7[%parallel_loop3A_136, %parallel_loop3A_137] {strides = array<i32>} : memref<100x128xi32, #tpu.memory_space<vmem>>, vector<1x16xi32>,
      %parallel_loop3A_139 = vector.shape_cast %parallel_loop3A_138 : vector<1x16xi32> to vector<16xi32>
      %parallel_loop3A_140 = vector.shape_cast %parallel_loop3A_135 : vector<16xi32> to vector<1x16xi32>
      tpu.vector_store %arg7[%parallel_loop3A_136, %parallel_loop3A_137], %parallel_loop3A_140 {strides = array<i32>} : memref<100x128xi32, #tpu.memory_space<vmem>>, vector<1x16xi32>,
      %parallel_loop3A_141 = arith.index_cast %parallel_loop3A_92 : i32 to index
      %parallel_loop3A_142 = arith.constant 48 : index
      %parallel_loop3A_143 = tpu.vector_load %arg7[%parallel_loop3A_141, %parallel_loop3A_142] {strides = array<i32>} : memref<100x128xi32, #tpu.memory_space<vmem>>, vector<1x16xi32>,
      %parallel_loop3A_144 = vector.shape_cast %parallel_loop3A_143 : vector<1x16xi32> to vector<16xi32>
      %parallel_loop3A_145 = vector.bitcast %parallel_loop3A_144 : vector<16xi32> to vector<16xi32>
      %parallel_loop3A_146 = arith.constant 1000 : i32
      %parallel_loop3A_147 = vector.broadcast %parallel_loop3A_146 : i32 to vector<16xi32>
      %parallel_loop3A_148 = arith.cmpi ult, %parallel_loop3A_145, %parallel_loop3A_147 : vector<16xi32>
      %parallel_loop3A_149 = arith.constant -1 : i32
      %parallel_loop3A_150 = vector.broadcast %parallel_loop3A_149 : i32 to vector<16xi32>
      %parallel_loop3A_151 = arith.select %parallel_loop3A_148, %parallel_loop3A_144, %parallel_loop3A_150 : vector<16xi1>, vector<16xi32>
      %parallel_loop3A_152 = arith.index_cast %parallel_loop3A_92 : i32 to index
      %parallel_loop3A_153 = arith.constant 48 : index
      %parallel_loop3A_154 = tpu.vector_load %arg7[%parallel_loop3A_152, %parallel_loop3A_153] {strides = array<i32>} : memref<100x128xi32, #tpu.memory_space<vmem>>, vector<1x16xi32>,
      %parallel_loop3A_155 = vector.shape_cast %parallel_loop3A_154 : vector<1x16xi32> to vector<16xi32>
      %parallel_loop3A_156 = vector.shape_cast %parallel_loop3A_151 : vector<16xi32> to vector<1x16xi32>
      tpu.vector_store %arg7[%parallel_loop3A_152, %parallel_loop3A_153], %parallel_loop3A_156 {strides = array<i32>} : memref<100x128xi32, #tpu.memory_space<vmem>>, vector<1x16xi32>,
      %parallel_loop3A_157 = arith.index_cast %parallel_loop3A_92 : i32 to index
      %parallel_loop3A_158 = arith.constant 64 : index
      %parallel_loop3A_159 = tpu.vector_load %arg7[%parallel_loop3A_157, %parallel_loop3A_158] {strides = array<i32>} : memref<100x128xi32, #tpu.memory_space<vmem>>, vector<1x16xi32>,
      %parallel_loop3A_160 = vector.shape_cast %parallel_loop3A_159 : vector<1x16xi32> to vector<16xi32>
      %parallel_loop3A_161 = vector.bitcast %parallel_loop3A_160 : vector<16xi32> to vector<16xi32>
      %parallel_loop3A_162 = arith.constant 1000 : i32
      %parallel_loop3A_163 = vector.broadcast %parallel_loop3A_162 : i32 to vector<16xi32>
      %parallel_loop3A_164 = arith.cmpi ult, %parallel_loop3A_161, %parallel_loop3A_163 : vector<16xi32>
      %parallel_loop3A_165 = arith.constant -1 : i32
      %parallel_loop3A_166 = vector.broadcast %parallel_loop3A_165 : i32 to vector<16xi32>
      %parallel_loop3A_167 = arith.select %parallel_loop3A_164, %parallel_loop3A_160, %parallel_loop3A_166 : vector<16xi1>, vector<16xi32>
      %parallel_loop3A_168 = arith.index_cast %parallel_loop3A_92 : i32 to index
      %parallel_loop3A_169 = arith.constant 64 : index
      %parallel_loop3A_170 = tpu.vector_load %arg7[%parallel_loop3A_168, %parallel_loop3A_169] {strides = array<i32>} : memref<100x128xi32, #tpu.memory_space<vmem>>, vector<1x16xi32>,
      %parallel_loop3A_171 = vector.shape_cast %parallel_loop3A_170 : vector<1x16xi32> to vector<16xi32>
      %parallel_loop3A_172 = vector.shape_cast %parallel_loop3A_167 : vector<16xi32> to vector<1x16xi32>
      tpu.vector_store %arg7[%parallel_loop3A_168, %parallel_loop3A_169], %parallel_loop3A_172 {strides = array<i32>} : memref<100x128xi32, #tpu.memory_space<vmem>>, vector<1x16xi32>,
      %parallel_loop3A_173 = arith.index_cast %parallel_loop3A_92 : i32 to index
      %parallel_loop3A_174 = arith.constant 80 : index
      %parallel_loop3A_175 = tpu.vector_load %arg7[%parallel_loop3A_173, %parallel_loop3A_174] {strides = array<i32>} : memref<100x128xi32, #tpu.memory_space<vmem>>, vector<1x16xi32>,
      %parallel_loop3A_176 = vector.shape_cast %parallel_loop3A_175 : vector<1x16xi32> to vector<16xi32>
      %parallel_loop3A_177 = vector.bitcast %parallel_loop3A_176 : vector<16xi32> to vector<16xi32>
      %parallel_loop3A_178 = arith.constant 1000 : i32
      %parallel_loop3A_179 = vector.broadcast %parallel_loop3A_178 : i32 to vector<16xi32>
      %parallel_loop3A_180 = arith.cmpi ult, %parallel_loop3A_177, %parallel_loop3A_179 : vector<16xi32>
      %parallel_loop3A_181 = arith.constant -1 : i32
      %parallel_loop3A_182 = vector.broadcast %parallel_loop3A_181 : i32 to vector<16xi32>
      %parallel_loop3A_183 = arith.select %parallel_loop3A_180, %parallel_loop3A_176, %parallel_loop3A_182 : vector<16xi1>, vector<16xi32>
      %parallel_loop3A_184 = arith.index_cast %parallel_loop3A_92 : i32 to index
      %parallel_loop3A_185 = arith.constant 80 : index
      %parallel_loop3A_186 = tpu.vector_load %arg7[%parallel_loop3A_184, %parallel_loop3A_185] {strides = array<i32>} : memref<100x128xi32, #tpu.memory_space<vmem>>, vector<1x16xi32>,
      %parallel_loop3A_187 = vector.shape_cast %parallel_loop3A_186 : vector<1x16xi32> to vector<16xi32>
      %parallel_loop3A_188 = vector.shape_cast %parallel_loop3A_183 : vector<16xi32> to vector<1x16xi32>
      tpu.vector_store %arg7[%parallel_loop3A_184, %parallel_loop3A_185], %parallel_loop3A_188 {strides = array<i32>} : memref<100x128xi32, #tpu.memory_space<vmem>>, vector<1x16xi32>,
      %parallel_loop3A_189 = arith.index_cast %parallel_loop3A_92 : i32 to index
      %parallel_loop3A_190 = arith.constant 96 : index
      %parallel_loop3A_191 = tpu.vector_load %arg7[%parallel_loop3A_189, %parallel_loop3A_190] {strides = array<i32>} : memref<100x128xi32, #tpu.memory_space<vmem>>, vector<1x16xi32>,
      %parallel_loop3A_192 = vector.shape_cast %parallel_loop3A_191 : vector<1x16xi32> to vector<16xi32>
      %parallel_loop3A_193 = vector.bitcast %parallel_loop3A_192 : vector<16xi32> to vector<16xi32>
      %parallel_loop3A_194 = arith.constant 1000 : i32
      %parallel_loop3A_195 = vector.broadcast %parallel_loop3A_194 : i32 to vector<16xi32>
      %parallel_loop3A_196 = arith.cmpi ult, %parallel_loop3A_193, %parallel_loop3A_195 : vector<16xi32>
      %parallel_loop3A_197 = arith.constant -1 : i32
      %parallel_loop3A_198 = vector.broadcast %parallel_loop3A_197 : i32 to vector<16xi32>
      %parallel_loop3A_199 = arith.select %parallel_loop3A_196, %parallel_loop3A_192, %parallel_loop3A_198 : vector<16xi1>, vector<16xi32>
      %parallel_loop3A_200 = arith.index_cast %parallel_loop3A_92 : i32 to index
      %parallel_loop3A_201 = arith.constant 96 : index
      %parallel_loop3A_202 = tpu.vector_load %arg7[%parallel_loop3A_200, %parallel_loop3A_201] {strides = array<i32>} : memref<100x128xi32, #tpu.memory_space<vmem>>, vector<1x16xi32>,
      %parallel_loop3A_203 = vector.shape_cast %parallel_loop3A_202 : vector<1x16xi32> to vector<16xi32>
      %parallel_loop3A_204 = vector.shape_cast %parallel_loop3A_199 : vector<16xi32> to vector<1x16xi32>
      tpu.vector_store %arg7[%parallel_loop3A_200, %parallel_loop3A_201], %parallel_loop3A_204 {strides = array<i32>} : memref<100x128xi32, #tpu.memory_space<vmem>>, vector<1x16xi32>,
      %parallel_loop3A_205 = arith.index_cast %parallel_loop3A_92 : i32 to index
      %parallel_loop3A_206 = arith.constant 112 : index
      %parallel_loop3A_207 = tpu.vector_load %arg7[%parallel_loop3A_205, %parallel_loop3A_206] {strides = array<i32>} : memref<100x128xi32, #tpu.memory_space<vmem>>, vector<1x16xi32>,
      %parallel_loop3A_208 = vector.shape_cast %parallel_loop3A_207 : vector<1x16xi32> to vector<16xi32>
      %parallel_loop3A_209 = vector.bitcast %parallel_loop3A_208 : vector<16xi32> to vector<16xi32>
      %parallel_loop3A_210 = arith.constant 1000 : i32
      %parallel_loop3A_211 = vector.broadcast %parallel_loop3A_210 : i32 to vector<16xi32>
      %parallel_loop3A_212 = arith.cmpi ult, %parallel_loop3A_209, %parallel_loop3A_211 : vector<16xi32>
      %parallel_loop3A_213 = arith.constant -1 : i32
      %parallel_loop3A_214 = vector.broadcast %parallel_loop3A_213 : i32 to vector<16xi32>
      %parallel_loop3A_215 = arith.select %parallel_loop3A_212, %parallel_loop3A_208, %parallel_loop3A_214 : vector<16xi1>, vector<16xi32>
      %parallel_loop3A_216 = arith.index_cast %parallel_loop3A_92 : i32 to index
      %parallel_loop3A_217 = arith.constant 112 : index
      %parallel_loop3A_218 = tpu.vector_load %arg7[%parallel_loop3A_216, %parallel_loop3A_217] {strides = array<i32>} : memref<100x128xi32, #tpu.memory_space<vmem>>, vector<1x16xi32>,
      %parallel_loop3A_219 = vector.shape_cast %parallel_loop3A_218 : vector<1x16xi32> to vector<16xi32>
      %parallel_loop3A_220 = vector.shape_cast %parallel_loop3A_215 : vector<16xi32> to vector<1x16xi32>
      tpu.vector_store %arg7[%parallel_loop3A_216, %parallel_loop3A_217], %parallel_loop3A_220 {strides = array<i32>} : memref<100x128xi32, #tpu.memory_space<vmem>>, vector<1x16xi32>,
    } {sc.loop_unroll_factor = 2 : i64, sc.parallel_access}
    %add3A_70 = arith.constant 384 : i32
    %add3A_71 = arith.addi %mul3A_2, %add3A_70 : i32
    %dma_start3A_72 = arith.constant 0 : i32
    %dma_start3A_73 = tpu.memref_slice %arg3[%dma_start3A_72, %add3A_71] : memref<100x16384xi32, #tpu.memory_space<hbm>> -> memref<100x128xi32, #tpu.memory_space<hbm>>
    %dma_start3A_74 = arith.constant 0 : i32
    %dma_start3A_75 = tpu.memref_slice %arg3[%dma_start3A_74, %add3A_71] : memref<100x16384xi32, #tpu.memory_space<hbm>> -> memref<100x128xi32, #tpu.memory_space<hbm>>
    tpu.enqueue_dma source(%arg7 : memref<100x128xi32, #tpu.memory_space<vmem>>) target(%dma_start3A_75 : memref<100x128xi32, #tpu.memory_space<hbm>>) target_semaphore(%arg15 : memref<!tpu.dma_semaphore, #tpu.memory_space<semaphore_mem>>)
    %dma_wait3A_76 = arith.constant 0 : i32
    %dma_wait3A_77 = tpu.memref_slice %arg3[%dma_wait3A_76, %add3A_32] : memref<100x16384xi32, #tpu.memory_space<hbm>> -> memref<100x128xi32, #tpu.memory_space<hbm>>
    %dma_wait3A_78 = arith.constant 0 : i32
    %dma_wait3A_79 = tpu.memref_slice %arg3[%dma_wait3A_78, %add3A_32] : memref<100x16384xi32, #tpu.memory_space<hbm>> -> memref<100x128xi32, #tpu.memory_space<hbm>>
    tpu.wait_dma2 semaphore(%arg12 : memref<!tpu.dma_semaphore, #tpu.memory_space<semaphore_mem>>) src(%arg4 : memref<100x128xi32, #tpu.memory_space<vmem>>) dst(%dma_wait3A_79 : memref<100x128xi32, #tpu.memory_space<hbm>>)
    %dma_wait3A_80 = arith.constant 0 : i32
    %dma_wait3A_81 = tpu.memref_slice %arg3[%dma_wait3A_80, %add3A_45] : memref<100x16384xi32, #tpu.memory_space<hbm>> -> memref<100x128xi32, #tpu.memory_space<hbm>>
    %dma_wait3A_82 = arith.constant 0 : i32
    %dma_wait3A_83 = tpu.memref_slice %arg3[%dma_wait3A_82, %add3A_45] : memref<100x16384xi32, #tpu.memory_space<hbm>> -> memref<100x128xi32, #tpu.memory_space<hbm>>
    tpu.wait_dma2 semaphore(%arg13 : memref<!tpu.dma_semaphore, #tpu.memory_space<semaphore_mem>>) src(%arg5 : memref<100x128xi32, #tpu.memory_space<vmem>>) dst(%dma_wait3A_83 : memref<100x128xi32, #tpu.memory_space<hbm>>)
    %dma_wait3A_84 = arith.constant 0 : i32
    %dma_wait3A_85 = tpu.memref_slice %arg3[%dma_wait3A_84, %add3A_58] : memref<100x16384xi32, #tpu.memory_space<hbm>> -> memref<100x128xi32, #tpu.memory_space<hbm>>
    %dma_wait3A_86 = arith.constant 0 : i32
    %dma_wait3A_87 = tpu.memref_slice %arg3[%dma_wait3A_86, %add3A_58] : memref<100x16384xi32, #tpu.memory_space<hbm>> -> memref<100x128xi32, #tpu.memory_space<hbm>>
    tpu.wait_dma2 semaphore(%arg14 : memref<!tpu.dma_semaphore, #tpu.memory_space<semaphore_mem>>) src(%arg6 : memref<100x128xi32, #tpu.memory_space<vmem>>) dst(%dma_wait3A_87 : memref<100x128xi32, #tpu.memory_space<hbm>>)
    %dma_wait3A_88 = arith.constant 0 : i32
    %dma_wait3A_89 = tpu.memref_slice %arg3[%dma_wait3A_88, %add3A_71] : memref<100x16384xi32, #tpu.memory_space<hbm>> -> memref<100x128xi32, #tpu.memory_space<hbm>>
    %dma_wait3A_90 = arith.constant 0 : i32
    %dma_wait3A_91 = tpu.memref_slice %arg3[%dma_wait3A_90, %add3A_71] : memref<100x16384xi32, #tpu.memory_space<hbm>> -> memref<100x128xi32, #tpu.memory_space<hbm>>
    tpu.wait_dma2 semaphore(%arg15 : memref<!tpu.dma_semaphore, #tpu.memory_space<semaphore_mem>>) src(%arg7 : memref<100x128xi32, #tpu.memory_space<vmem>>) dst(%dma_wait3A_91 : memref<100x128xi32, #tpu.memory_space<hbm>>)
    return
  }
}

</mosaic_0001>

<sc_bundles>
// kernel: kernel.3.cloned.1.call-start
scs
__scs_entry_jumppad:
0x0: {  	(pc) =	sbr.rel $0x88, $3  }
0x1: {  	(tag) =	ssettag $0x0;
	lr =	simm.s32 $0x1  }
0x2: {  	[smem:$0x3FA0] =	sst lr;
	_ =	strace $0xD0000000  }
0x3: {  	_ = 	snop  }
0x4: {  	_ = 	snop  }
0x5: {  	_ = 	snop  }
0x6: {  	_ = 	snop  }
0x7: {  	_ = 	snop  }
__scs_overlays_trampoline_lowered:
0x8: {  	[smem:$0x3FAF] =	sst s0  }
0x9: {  	[smem:$0x3FB0] =	sst s1  }
0xa: {  	[smem:$0x3FB1] =	sst s2  }
0xb: {  	[smem:$0x3FB2] =	sst s3  }
0xc: {  	[smem:$0x3FB3] =	sst s4  }
0xd: {  	[smem:$0x3FB4] =	sst s5  }
0xe: {  	[smem:$0x3FB5] =	sst s6  }
0xf: {  	[smem:$0x3FB6] =	sst s7  }
0x10: {  	[smem:$0x3FB7] =	sst s8  }
0x11: {  	[smem:$0x3FB8] =	sst s9;
	s0 =	simm.s32 @!p0 $0x0  }
0x12: {  	s1 =	sld [smem:$0x3F9E];
	s0 =	simm.s32 @p0 $0x1  }
0x13: {  	[smem:$0x3FB9] =	sst s0;
	s0 =	simm.s32 @!p1 $0x0  }
0x14: {  	s2 =	sld [smem:$0x3F9D];
	s0 =	simm.s32 @p1 $0x1  }
0x15: {  	[smem:$0x3FBA] =	sst s0;
	s0 =	simm.s32 @!p2 $0x0  }
0x16: {  	s3 =	sld [smem:$0x3FDB];
	s0 =	simm.s32 @p2 $0x1  }
0x17: {  	s4 =	simm.s32 $0x1BF5;
	[smem:$0x3FBC] =	sst s0  }
0x18: {  	s0 =	sld [smem:$0x3F9F];
	_ =	swait.ge [sflag:s4], $0x0  }
0x19: {  	s7 =	sld [smem:$0x3FA0]  }
0x1a: {  	s8 =	sadd.s32 $0xFFFFE003, lr  }
0x1b: {  	s9 =	sadd.s32 $0xFFFFFEF7, lr;
	s5 =	simm.s32 $0xFFFFFFFF;
	p2 =	slt.u32 s8, $0xFFFFF086  }
0x1c: {  	p1 =	slt.u32 s9, $0xF7A;
	s5 =	simm.s32 @!p2 $0x0  }
0x1d: {  	s5 =	simm.s32 @p1 $0x1;
	p0 =	seq.s32 s7, s2  }
0x1e: {  	s7 =	smul.u32 @!p0 $0xF7A, s2;
	p2 =	seq.s32 @!p0 s5, $0x0  }
0x1f: {  	s9 =	smul.u32 $0xF7A, s1;
	s8 =	simm.s32 @!p0 $0x1BF5;
	p2 =	por !p2, p0  }
0x20: {  	[sflag:s8] =	ssyncset.s32 @!p0 $0xFFFFF086;
	s6 =	sadd.s32 @!p0 s3, s7;
	s7 =	simm.s32 @!p0 $0x108  }
0x21: {  	s3 =	sadd.s32 s3, s9;
	s6 =	sadd.s32 @!p0 $0x88, s6;
	s7 =	simm.s32 @p2 $0x1082  }
0x22: {  	[simem:s7], [sflag:s8] =	dma.local @!p0 [hbm:s6], $0xF7A  }
0x23: {  	s9 =	sor.u32 $0xD0000000, s2;
	s6 =	simm.s32 $0x108;
	_ =	swait.ge @!p0 [sflag:s8], $0x0  }
0x24: {  	s3 =	sadd.s32 $0x88, s3;
	s6 =	simm.s32 @!p1 $0x1082;
	[sflag:s4] =	ssyncset.s32 $0xFFFFF086  }
0x25: {  	[simem:s6], [sflag:s4] =	dma.local [hbm:s3], $0xF7A  }
0x26: {  	[smem:$0x3FA0] =	sst s1;
	(tag) =	ssettag s2;
	_ =	strace s9  }
0x27: {  	s1 =	sld [smem:$0x3FB0]  }
0x28: {  	s2 =	sld [smem:$0x3FB1]  }
0x29: {  	s4 =	sld [smem:$0x3FB3]  }
0x2a: {  	p0 =	seq.s32 s5, $0x0;
	s5 =	sld [smem:$0x3FB4]  }
0x2b: {  	s6 =	sld [smem:$0x3FB5]  }
0x2c: {  	s7 =	sld [smem:$0x3FB6]  }
0x2d: {  	s3 =	simm.s32 $0x108;
	s8 =	sld [smem:$0x3FB7]  }
0x2e: {  	s3 =	simm.s32 @!p0 $0x1082;
	s9 =	sld [smem:$0x3FB8]  }
0x2f: {  	lr =	sadd.s32 s0, s3;
	s0 =	sld [smem:$0x3FAF]  }
0x30: {  	s3 =	sld [smem:$0x3FB2]  }
0x31: {  	[smem:$0x3FBB] =	sst s10  }
0x32: {  	s10 =	sld [smem:$0x3FB9];
	_ =	sdelay $0x3  }
0x33: {  	p0 =	seq.s32 s10, $0x1;
	s10 =	sld [smem:$0x3FBB];
	_ =	sdelay $0x3  }
0x34: {  	[smem:$0x3FBB] =	sst s10  }
0x35: {  	s10 =	sld [smem:$0x3FBA];
	_ =	sdelay $0x3  }
0x36: {  	p1 =	seq.s32 s10, $0x1;
	s10 =	sld [smem:$0x3FBB];
	_ =	sdelay $0x3  }
0x37: {  	[smem:$0x3FBB] =	sst s10  }
0x38: {  	s10 =	sld [smem:$0x3FBC]  }
0x39: {  	_ = 	snop;
	(pc) =	sbr.ind lr, $3  }
0x3a: {  	_ = 	snop  }
0x3b: {  	_ = 	snop  }
0x3c: {  	p2 =	seq.s32 s10, $0x1;
	s10 =	sld [smem:$0x3FBB]  }
0x3d: {  	_ =	shalt  }
0x3e: {  	_ =	shalt  }
0x3f: {  	_ =	shalt  }
0x40: {  	_ =	shalt  }
0x41: {  	_ =	shalt  }
0x42: {  	_ =	shalt  }
0x43: {  	_ =	shalt  }
0x44: {  	_ =	shalt  }
0x45: {  	_ =	shalt  }
0x46: {  	_ =	shalt  }
0x47: {  	_ =	shalt  }
0x48: {  	_ =	shalt  }
0x49: {  	_ =	shalt  }
0x4a: {  	_ =	shalt  }
0x4b: {  	_ =	shalt  }
0x4c: {  	_ =	shalt  }
0x4d: {  	_ =	shalt  }
0x4e: {  	_ =	shalt  }
0x4f: {  	_ =	shalt  }
0x50: {  	_ =	shalt  }
0x51: {  	_ =	shalt  }
0x52: {  	_ =	shalt  }
0x53: {  	_ =	shalt  }
0x54: {  	_ =	shalt  }
0x55: {  	_ =	shalt  }
0x56: {  	_ =	shalt  }
0x57: {  	_ =	shalt  }
0x58: {  	_ =	shalt  }
0x59: {  	_ =	shalt  }
0x5a: {  	_ =	shalt  }
0x5b: {  	_ =	shalt  }
0x5c: {  	_ =	shalt  }
0x5d: {  	_ =	shalt  }
0x5e: {  	_ =	shalt  }
0x5f: {  	_ =	shalt  }
0x60: {  	_ =	shalt  }
0x61: {  	_ =	shalt  }
0x62: {  	_ =	shalt  }
0x63: {  	_ =	shalt  }
0x64: {  	_ =	shalt  }
0x65: {  	_ =	shalt  }
0x66: {  	_ =	shalt  }
0x67: {  	_ =	shalt  }
0x68: {  	_ =	shalt  }
0x69: {  	_ =	shalt  }
0x6a: {  	_ =	shalt  }
0x6b: {  	_ =	shalt  }
0x6c: {  	_ =	shalt  }
0x6d: {  	_ =	shalt  }
0x6e: {  	_ =	shalt  }
0x6f: {  	_ =	shalt  }
0x70: {  	_ =	shalt  }
0x71: {  	_ =	shalt  }
0x72: {  	_ =	shalt  }
0x73: {  	_ =	shalt  }
0x74: {  	_ =	shalt  }
0x75: {  	_ =	shalt  }
0x76: {  	_ =	shalt  }
0x77: {  	_ =	shalt  }
0x78: {  	_ =	shalt  }
0x79: {  	_ =	shalt  }
0x7a: {  	_ =	shalt  }
0x7b: {  	_ =	shalt  }
0x7c: {  	_ =	shalt  }
0x7d: {  	_ =	shalt  }
0x7e: {  	_ =	shalt  }
0x7f: {  	_ =	shalt  }
0x80: {  	_ =	shalt  }
0x81: {  	_ =	shalt  }
0x82: {  	_ =	shalt  }
0x83: {  	_ =	shalt  }
0x84: {  	_ =	shalt  }
0x85: {  	_ =	shalt  }
0x86: {  	_ =	shalt  }
0x87: {  	_ =	shalt  }
.Lfunc_end0:
.L_simem_size_0:
called_computation_lowered:
.L_overlay_start_0:
0x88: {  	s2 =	sld [smem:$0x3FD9]  }
0x89: {  	s3 =	sld [smem:$0x3FFE];
	_ =	sdelay $0x1  }
0x8a: {  	s1 =	srdreg.scid  }
0x8b: {  	s0 =	sand.u32 $0x1, s1  }
0x8c: {  	s18 =	sshll.u32 s0, $0xA;
	s2 =	sadd.s32 s3, s2  }
0x8d: {  	s2 =	sadd.s32 s2, s18  }
0x8e: {  	[smem:$0x3FC7] =	sst s2  }
0x8f: {  	_ = 	snop  }
0x90: {  	s2 =	sld [smem:$0x3FC9]  }
0x91: {  	s19 =	sld [smem:$0x3FD0];
	(tm) =	ssettm $0x1  }
0x92: {  	s4 =	sld [smem:$0x3FFB];
	_ =	sdelay $0x3  }
0x93: {  	_ =	strace s4  }
0x94: {  	s4 =	sld [smem:$0x3FFC];
	_ =	sdelay $0x3  }
0x95: {  	_ =	strace s4  }
0x96: {  	s4 =	sld [smem:$0x3FFD];
	_ =	sdelay $0x3  }
0x97: {  	_ =	strace s4  }
0x98: {  	_ =	strace $0x8FFFFFFF  }
0x99: {  	s20 =	sld [smem:$0x3FDB];
	_ =	sdelay $0x1  }
0x9a: {  	s5 =	simm.s32 $_scs_section_size  }
0x9b: {  	s6 =	simm.s32 $_size__tile_overlayer_lowered;
	s7 =	simm.s32 $_tile_overlayer_lowered  }
0x9c: {  	s23 =	simm.s32 $0x1BFF;
	s22 =	sshll.u32 s7, $0x1;
	s4 =	sadd.s32 s5, s20  }
0x9d: {  	s8 =	simm.s32 $0x0;
	s21 =	sshll.u32 s6, $0x1;
	s6 =	sadd.s32 s22, s4  }
0x9e: {  	[timem:s8], [sflag:s23] =	dma.local [hbm:s6], s21  }
0x9f: {  	_ =	swait.ge [sflag:s23], s21  }
0xa0: {  	s5 =	ssub.s32 $0x0, s21;
	[sflag:s23] =	ssyncset.done $0x0  }
0xa1: {  	[sflag:s23] =	ssyncadd.s32 s5;
	_ =	sdelay $0x1  }
0xa2: {  	s24 =	simm.s32 $0x1B8B  }
0xa3: {  	_ =	swait.ge [sflag:s24], $0x1  }
0xa4: {  	[sflag:s24] =	ssyncset.done $0x0  }
0xa5: {  	s25 =	simm.s32 $0x1B8E;
	[sflag:s24] =	ssyncadd.s32 $0xFFFFFFFF  }
0xa6: {  	s26 =	simm.s32 $execute0_lowered;
	[smem:$0x3FD2] =	sst s25  }
0xa7: {  	s5 =	sshll.u32 s26, $0x1;
	_ =	strace $0x80000046;
	[dreg:$0x1] =	wrdreg $0xFFFFFFFF  }
0xa8: {  	s28 =	simm.s32 $_size_execute0_lowered;
	s4 =	sadd.s32 s4, s5;
	[dreg:$0x0] =	wrdreg $0x0  }
0xa9: {  	s5 =	sshll.u32 s28, $0x1;
	[dreg:$0x2] =	wrdreg s4  }
0xaa: {  	[dreg:$0x3] =	wrdreg s5  }
0xab: {  	[dreg:$0x4] =	wrdreg $0xC0  }
0xac: {  	_ =	task [dreg:s8], $0x5FFFF  }
0xad: {  	[dreg:$0x1] =	wrdreg $0xFFFFFFFF  }
0xae: {  	[dreg:$0x0] =	wrdreg $0x60  }
0xaf: {  	[dreg:$0x2] =	wrdreg s2  }
0xb0: {  	[dreg:$0x3] =	wrdreg s19  }
0xb1: {  	[dreg:$0x4] =	wrdreg $0x9  }
0xb2: {  	_ =	task.clear_ibuf [dreg:s8], $0x5FFFF;
	_ =	strace $0x90000046  }
0xb3: {  	s29 =	simm.s32 $0x9;
	_ =	strace $0x80000048  }
0xb4: {  	_ =	swait.ge [sflag:s29], $0x1  }
0xb5: {  	[sflag:s29] =	ssyncadd.s32 $0xFFFFFFFF  }
0xb6: {  	_ =	strace $0x90000048  }
0xb7: {  	_ =	sfence  }
0xb8: {  	s30 =	sld [smem:$0x0];
	_ =	sdelay $0x2  }
0xb9: {  	s31 =	sshll.u32 s1, $0xD;
	s1 =	sshrl.u32 s1, $0x2  }
0xba: {  	s3 =	sand.u32 $0x4000, s31;
	s1 =	sadd.s32 s1, s30  }
0xbb: {  	s0 =	sor.u32 s3, s0;
	s1 =	sshll.u32 s1, $0x11  }
0xbc: {  	s0 =	sor.u32 s1, s0  }
0xbd: {  	s0 =	sadd.s32 $0x8F2B, s0  }
0xbe: {  	[sflag:s0] =	ssyncadd.remote.s32 $0x1  }
0xbf: {  	_ =	sfence.sel $0xFFFF  }
0xc0: {  	[dreg:$0x0] =	wrdreg $0xFFFFFFFF;
	(pc) =	sbr.abs _section_cstart, $3  }
0xc1: {  	[dreg:$0x1] =	wrdreg $0xFFFFFFFF  }
0xc2: {  	_ =	task.clear_ibuf [dreg:s8], $0x2FFFF;
	_ =	strace $0x9FFFFFFF  }
0xc3: {  	(tm) =	ssettm $0x7FFFFFFF  }
tec
execute0_lowered:
.L_overlay_start_1:
0x0: {  	(tag) =	ssettag $0x1  }
0x1: {  	s0 =	rddreg [dreg:$0x0]  }
0x2: {  	s1 =	rddreg [dreg:$0x1]  }
0x3: {  	s3 =	srdreg.scid;
	s2 =	simm.s32 $0x0;
	s5 =	stileid.u32  }
0x4: {  	s16 =	simm.s32 $0x400;
	s17 =	simm.s32 $0x20000;
	s19 =	simm.s32 $0x3400  }
0x5: {  	s20 =	simm.s32 $0x6400;
	s21 =	simm.s32 $0x6800;
	s22 =	simm.s32 $0x9800  }
0x6: {  	s23 =	simm.s32 $0x9C00;
	s24 =	simm.s32 $0xCC00;
	s28 =	simm.s32 $0x3  }
0x7: {  	s29 =	simm.s32 $0x4;
	s30 =	simm.s32 $0x5;
	s3 =	sand.u32 $0x1, s3  }
0x8: {  	s31 =	simm.s32 $0x6;
	s5 =	sshll.u32 s5, $0xA;
	s4 =	ssub.s32 $0x2, s3  }
0x9: {  	[smem:$0x7FF] =	sst s2;
	s3 =	sshll.u32 s3, $0x9;
	s6 =	sshrl.u32 s4, $0x1  }
0xa: {  	_ =	strace $0x80000047;
	s7 =	sor.u32 s3, s5;
	s4 =	ssub.s32 s4, s6  }
0xb: {  	s3 =	sadd.s32 s0, s7;
	s8 =	sor.u32 $0x80, s7;
	s13 =	sor.u32 $0x100, s7  }
0xc: {  	s14 =	sor.u32 $0x180, s7;
	s11 =	sadd.s32 s1, s7;
	s25 =	sadd.s32 $0x30000, s3  }
0xd: {  	s5 =	sadd.s32 s0, s8;
	s6 =	sadd.s32 s0, s13;
	s12 =	sadd.s32 s1, s8  }
0xe: {  	s13 =	sadd.s32 s1, s13;
	[dreg:$0x3] =	wrdreg s25;
	s9 =	sadd.s32 $0x30000, s5  }
0xf: {  	s15 =	smax.u32 s4, $0x1;
	s26 =	sadd.s32 $0x30000, s6;
	[dreg:$0x4] =	wrdreg s9  }
0x10: {  	s4 =	simm.s32 $0x0;
	s25 =	simm.s32 $0x1;
	[dreg:$0x5] =	wrdreg s26  }
0x11: {  	s9 =	sadd.s32 s0, s14;
	s14 =	sadd.s32 s1, s14;
	s26 =	simm.s32 $0x2  }
0x12: {  	s0 =	simm.s32 $0x7;
	s1 =	simm.s32 $0x8;
	s10 =	sadd.s32 $0x30000, s9  }
.LBB2_1:
0x13: {  	[tilespmem:s2], [sflag:$0x1] =	stream.strided.gather [hbm4b:s3+s16], $0x3000, s17, s16, $0x38;
	[tilespmem:$0xD000] =	vst v63  }
0x14: {  	s7 =	rddreg [dreg:$0x3];
	s8 =	simm.s32 $0x3000  }
0x15: {  	[tilespmem:s8], [sflag:$0x1] =	stream.linear.gather [hbm4b:s7+s2], $0x200, $0x38;
	[tilespmem:$0xD000] =	vst v63  }
0x16: {  	_ = 	snop  }
0x17: {  	[tilespmem:s19], [sflag:$0x2] =	stream.strided.gather [hbm4b:s5+s16], $0x3000, s17, s16, $0x38;
	[tilespmem:$0xD000] =	vst v63  }
0x18: {  	s8 =	rddreg [dreg:$0x4]  }
0x19: {  	[tilespmem:s20], [sflag:$0x2] =	stream.linear.gather [hbm4b:s8+s2], $0x200, $0x38;
	[tilespmem:$0xD000] =	vst v63  }
0x1a: {  	_ = 	snop  }
0x1b: {  	[tilespmem:s21], [sflag:$0x3] =	stream.strided.gather [hbm4b:s6+s16], $0x3000, s17, s16, $0x38;
	[tilespmem:$0xD000] =	vst v63  }
0x1c: {  	s18 =	rddreg [dreg:$0x5]  }
0x1d: {  	[tilespmem:s22], [sflag:$0x3] =	stream.linear.gather [hbm4b:s18+s2], $0x200, $0x38;
	[tilespmem:$0xD000] =	vst v63  }
0x1e: {  	_ = 	snop  }
0x1f: {  	[tilespmem:s23], [sflag:$0x4] =	stream.strided.gather [hbm4b:s9+s16], $0x3000, s17, s16, $0x38;
	[tilespmem:$0xD000] =	vst v63  }
0x20: {  	_ = 	snop  }
0x21: {  	[tilespmem:s24], [sflag:$0x4] =	stream.linear.gather [hbm4b:s10+s2], $0x200, $0x38;
	[tilespmem:$0xD000] =	vst v63  }
0x22: {  	_ =	swait.ge [sflag:s25], $0x3200  }
0x23: {  	[sflag:s25] =	ssyncset.done $0x0  }
0x24: {  	s7 =	simm.s32 $0x80;
	[sflag:s25] =	ssyncadd.s32 $0xFFFFCE00  }
0x25: {  	v0 =	vld [tilespmem:s7+$0x70]  }
0x26: {  	v1 =	vld [tilespmem:s7+$0xFFFFFF90]  }
0x27: {  	v2 =	vld [tilespmem:s7+$0xFFFFFFA0]  }
0x28: {  	v3 =	vld [tilespmem:s7+$0xFFFFFFB0]  }
0x29: {  	v4 =	vld [tilespmem:s7+$0xFFFFFFC0]  }
0x2a: {  	v5 =	vld [tilespmem:s7+$0xFFFFFFD0];
	vm0 =	vlt.u32 v0, $0x3E8  }
0x2b: {  	v6 =	vld [tilespmem:s7+$0xFFFFFFE0];
	vm1 =	vlt.u32 v1, $0x3E8;
	v0 =	vnsel vm0, $0xFFFFFFFF, v0  }
0x2c: {  	v7 =	vld [tilespmem:s7+$0xFFFFFFF0];
	v1 =	vnsel vm1, $0xFFFFFFFF, v1;
	vm0 =	vlt.u32 v2, $0x3E8;
	[tilespmem:s7+$0x70] =	vst v0  }
0x2d: {  	[tilespmem:s7+$0xFFFFFF90] =	vst v1;
	v0 =	vnsel vm0, $0xFFFFFFFF, v2;
	vm0 =	vlt.u32 v3, $0x3E8;
	v2 =	vld [tilespmem:s7+$0x0]  }
0x2e: {  	v8 =	vld [tilespmem:s7+$0x10];
	[tilespmem:s7+$0xFFFFFFA0] =	vst v0;
	v0 =	vnsel vm0, $0xFFFFFFFF, v3;
	vm0 =	vlt.u32 v4, $0x3E8  }
0x2f: {  	[tilespmem:s7+$0xFFFFFFB0] =	vst v0;
	v1 =	vnsel vm0, $0xFFFFFFFF, v4;
	vm0 =	vlt.u32 v5, $0x3E8;
	v0 =	vld [tilespmem:s7+$0x20]  }
0x30: {  	[tilespmem:s7+$0xFFFFFFC0] =	vst v1;
	v3 =	vnsel vm0, $0xFFFFFFFF, v5;
	vm0 =	vlt.u32 v6, $0x3E8;
	v1 =	vld [tilespmem:s7+$0x30]  }
0x31: {  	[tilespmem:s7+$0xFFFFFFD0] =	vst v3;
	v4 =	vnsel vm0, $0xFFFFFFFF, v6;
	vm0 =	vlt.u32 v7, $0x3E8;
	v3 =	vld [tilespmem:s7+$0x40]  }
0x32: {  	v5 =	vld [tilespmem:s7+$0x50];
	[tilespmem:s7+$0xFFFFFFE0] =	vst v4;
	v4 =	vnsel vm0, $0xFFFFFFFF, v7;
	vm0 =	vlt.u32 v2, $0x3E8  }
0x33: {  	[tilespmem:s7+$0xFFFFFFF0] =	vst v4;
	v6 =	vnsel vm0, $0xFFFFFFFF, v2;
	vm0 =	vlt.u32 v8, $0x3E8;
	v4 =	vld [tilespmem:s7+$0x60]  }
0x34: {  	s8 =	simm.s32 $0x180;
	s18 =	simm.s32 $0x0;
	v2 =	vld [tilespmem:s7+$0xFFFFFF80];
	[tilespmem:s7+$0x0] =	vst v6;
	v6 =	vnsel vm0, $0xFFFFFFFF, v8;
	vm0 =	vlt.u32 v0, $0x3E8  }
.LBB2_2:
0x35: {  	v7 =	vld [tilespmem:s8+$0x70];
	s18 =	sadd.s32 $0x2, s18;
	[tilespmem:s7+$0x10] =	vst v6;
	v0 =	vnsel vm0, $0xFFFFFFFF, v0;
	vm0 =	vlt.u32 v1, $0x3E8  }
0x36: {  	v6 =	vld [tilespmem:s8+$0xFFFFFF90];
	p0 =	slt.u32 s18, $0x62;
	[tilespmem:s7+$0x20] =	vst v0;
	v0 =	vnsel vm0, $0xFFFFFFFF, v1;
	vm0 =	vlt.u32 v3, $0x3E8  }
0x37: {  	v1 =	vld [tilespmem:s8+$0xFFFFFFA0];
	[tilespmem:s7+$0x30] =	vst v0;
	v0 =	vnsel vm0, $0xFFFFFFFF, v3;
	vm0 =	vlt.u32 v5, $0x3E8  }
0x38: {  	v3 =	vld [tilespmem:s8+$0xFFFFFFB0];
	[tilespmem:s7+$0x40] =	vst v0;
	v0 =	vnsel vm0, $0xFFFFFFFF, v5;
	vm0 =	vlt.u32 v4, $0x3E8  }
0x39: {  	v5 =	vld [tilespmem:s8+$0xFFFFFFC0];
	vm1 =	vlt.u32 v2, $0x3E8;
	[tilespmem:s7+$0x50] =	vst v0;
	v0 =	vnsel vm0, $0xFFFFFFFF, v4  }
0x3a: {  	v4 =	vld [tilespmem:s8+$0xFFFFFFD0];
	vm0 =	vlt.u32 v7, $0x3E8;
	v2 =	vnsel vm1, $0xFFFFFFFF, v2;
	[tilespmem:s7+$0x60] =	vst v0  }
0x3b: {  	vm1 =	vlt.u32 v6, $0x3E8;
	v8 =	vld [tilespmem:s8+$0xFFFFFFE0];
	v0 =	vnsel vm0, $0xFFFFFFFF, v7;
	[tilespmem:s7+$0xFFFFFF80] =	vst v2;
	s7 =	smov.u32 s8  }
0x3c: {  	v2 =	vnsel vm1, $0xFFFFFFFF, v6;
	vm0 =	vlt.u32 v1, $0x3E8;
	v6 =	vld [tilespmem:s8+$0xFFFFFFF0];
	[tilespmem:s8+$0x70] =	vst v0  }
0x3d: {  	[tilespmem:s8+$0xFFFFFF90] =	vst v2;
	v0 =	vnsel vm0, $0xFFFFFFFF, v1;
	vm0 =	vlt.u32 v3, $0x3E8;
	v2 =	vld [tilespmem:s8+$0x0]  }
0x3e: {  	[tilespmem:s8+$0xFFFFFFA0] =	vst v0;
	v0 =	vnsel vm0, $0xFFFFFFFF, v3;
	vm0 =	vlt.u32 v5, $0x3E8;
	v7 =	vld [tilespmem:s8+$0x10]  }
0x3f: {  	[tilespmem:s8+$0xFFFFFFB0] =	vst v0;
	v1 =	vnsel vm0, $0xFFFFFFFF, v5;
	vm0 =	vlt.u32 v4, $0x3E8;
	v0 =	vld [tilespmem:s8+$0x20]  }
.Ltmp0:
0x40: {  	[tilespmem:s8+$0xFFFFFFC0] =	vst v1;
	v3 =	vnsel vm0, $0xFFFFFFFF, v4;
	vm0 =	vlt.u32 v8, $0x3E8;
	v1 =	vld [tilespmem:s8+$0x30];
	(pc) =	sbr.rel @p0 .LBB2_2-.Ltmp0, $4  }
0x41: {  	[tilespmem:s8+$0xFFFFFFD0] =	vst v3;
	v4 =	vnsel vm0, $0xFFFFFFFF, v8;
	vm0 =	vlt.u32 v6, $0x3E8;
	v3 =	vld [tilespmem:s8+$0x40]  }
0x42: {  	[tilespmem:s8+$0xFFFFFFE0] =	vst v4;
	v4 =	vnsel vm0, $0xFFFFFFFF, v6;
	vm0 =	vlt.u32 v2, $0x3E8;
	v5 =	vld [tilespmem:s8+$0x50]  }
0x43: {  	[tilespmem:s8+$0xFFFFFFF0] =	vst v4;
	v6 =	vnsel vm0, $0xFFFFFFFF, v2;
	vm0 =	vlt.u32 v7, $0x3E8;
	v4 =	vld [tilespmem:s8+$0x60]  }
0x44: {  	s8 =	sadd.s32 $0x100, s8;
	v2 =	vld [tilespmem:s7+$0xFFFFFF80];
	[tilespmem:s7+$0x0] =	vst v6;
	v6 =	vnsel vm0, $0xFFFFFFFF, v7;
	vm0 =	vlt.u32 v0, $0x3E8  }
0x45: {  	[tilespmem:s7+$0x10] =	vst v6;
	v0 =	vnsel vm0, $0xFFFFFFFF, v0;
	vm0 =	vlt.u32 v1, $0x3E8  }
0x46: {  	[tilespmem:s7+$0x20] =	vst v0;
	v0 =	vnsel vm0, $0xFFFFFFFF, v1;
	vm0 =	vlt.u32 v3, $0x3E8  }
0x47: {  	[tilespmem:s7+$0x30] =	vst v0;
	v0 =	vnsel vm0, $0xFFFFFFFF, v3;
	vm0 =	vlt.u32 v5, $0x3E8  }
0x48: {  	[tilespmem:s7+$0x40] =	vst v0;
	v0 =	vnsel vm0, $0xFFFFFFFF, v5;
	vm0 =	vlt.u32 v4, $0x3E8  }
0x49: {  	vm1 =	vlt.u32 v2, $0x3E8;
	[tilespmem:s7+$0x50] =	vst v0;
	v0 =	vnsel vm0, $0xFFFFFFFF, v4  }
0x4a: {  	v1 =	vnsel vm1, $0xFFFFFFFF, v2;
	[tilespmem:s7+$0x60] =	vst v0  }
0x4b: {  	[tilespmem:s7+$0xFFFFFF80] =	vst v1  }
0x4c: {  	[hbm4b:s11+s16] =	stream.strided.scatter [tilespmem:s2], [sflag:$0x5], $0x3000, s17, s16, $0x38;
	[tilespmem:$0xD000] =	vst v63  }
0x4d: {  	s18 =	sadd.s32 $0x30000, s11;
	s8 =	simm.s32 $0x3000  }
0x4e: {  	[hbm4b:s18+s2] =	stream.linear.scatter [tilespmem:s8], [sflag:$0x5], $0x200, $0x38;
	[tilespmem:$0xD000] =	vst v63  }
0x4f: {  	_ =	swait.ge [sflag:s26], $0x3200  }
0x50: {  	[sflag:s26] =	ssyncset.done $0x0  }
0x51: {  	s7 =	simm.s32 $0x3480;
	[sflag:s26] =	ssyncadd.s32 $0xFFFFCE00  }
0x52: {  	v0 =	vld [tilespmem:s7+$0x70]  }
0x53: {  	v1 =	vld [tilespmem:s7+$0xFFFFFF90]  }
0x54: {  	v2 =	vld [tilespmem:s7+$0xFFFFFFA0]  }
0x55: {  	v3 =	vld [tilespmem:s7+$0xFFFFFFB0]  }
0x56: {  	v4 =	vld [tilespmem:s7+$0xFFFFFFC0]  }
0x57: {  	v5 =	vld [tilespmem:s7+$0xFFFFFFD0];
	vm0 =	vlt.u32 v0, $0x3E8  }
0x58: {  	v6 =	vld [tilespmem:s7+$0xFFFFFFE0];
	vm1 =	vlt.u32 v1, $0x3E8;
	v0 =	vnsel vm0, $0xFFFFFFFF, v0  }
0x59: {  	v7 =	vld [tilespmem:s7+$0xFFFFFFF0];
	v1 =	vnsel vm1, $0xFFFFFFFF, v1;
	vm0 =	vlt.u32 v2, $0x3E8;
	[tilespmem:s7+$0x70] =	vst v0  }
0x5a: {  	[tilespmem:s7+$0xFFFFFF90] =	vst v1;
	v0 =	vnsel vm0, $0xFFFFFFFF, v2;
	vm0 =	vlt.u32 v3, $0x3E8;
	v2 =	vld [tilespmem:s7+$0x0]  }
0x5b: {  	v8 =	vld [tilespmem:s7+$0x10];
	[tilespmem:s7+$0xFFFFFFA0] =	vst v0;
	v0 =	vnsel vm0, $0xFFFFFFFF, v3;
	vm0 =	vlt.u32 v4, $0x3E8  }
0x5c: {  	[tilespmem:s7+$0xFFFFFFB0] =	vst v0;
	v1 =	vnsel vm0, $0xFFFFFFFF, v4;
	vm0 =	vlt.u32 v5, $0x3E8;
	v0 =	vld [tilespmem:s7+$0x20]  }
0x5d: {  	[tilespmem:s7+$0xFFFFFFC0] =	vst v1;
	v3 =	vnsel vm0, $0xFFFFFFFF, v5;
	vm0 =	vlt.u32 v6, $0x3E8;
	v1 =	vld [tilespmem:s7+$0x30]  }
0x5e: {  	[tilespmem:s7+$0xFFFFFFD0] =	vst v3;
	v4 =	vnsel vm0, $0xFFFFFFFF, v6;
	vm0 =	vlt.u32 v7, $0x3E8;
	v3 =	vld [tilespmem:s7+$0x40]  }
0x5f: {  	v5 =	vld [tilespmem:s7+$0x50];
	[tilespmem:s7+$0xFFFFFFE0] =	vst v4;
	v4 =	vnsel vm0, $0xFFFFFFFF, v7;
	vm0 =	vlt.u32 v2, $0x3E8  }
0x60: {  	[tilespmem:s7+$0xFFFFFFF0] =	vst v4;
	v6 =	vnsel vm0, $0xFFFFFFFF, v2;
	vm0 =	vlt.u32 v8, $0x3E8;
	v4 =	vld [tilespmem:s7+$0x60]  }
0x61: {  	s18 =	simm.s32 $0x0;
	s8 =	simm.s32 $0x3580;
	v2 =	vld [tilespmem:s7+$0xFFFFFF80];
	[tilespmem:s7+$0x0] =	vst v6;
	v6 =	vnsel vm0, $0xFFFFFFFF, v8;
	vm0 =	vlt.u32 v0, $0x3E8  }
.LBB2_4:
0x62: {  	v7 =	vld [tilespmem:s8+$0x70];
	s18 =	sadd.s32 $0x2, s18;
	[tilespmem:s7+$0x10] =	vst v6;
	v0 =	vnsel vm0, $0xFFFFFFFF, v0;
	vm0 =	vlt.u32 v1, $0x3E8  }
0x63: {  	v6 =	vld [tilespmem:s8+$0xFFFFFF90];
	p0 =	slt.u32 s18, $0x62;
	[tilespmem:s7+$0x20] =	vst v0;
	v0 =	vnsel vm0, $0xFFFFFFFF, v1;
	vm0 =	vlt.u32 v3, $0x3E8  }
0x64: {  	v1 =	vld [tilespmem:s8+$0xFFFFFFA0];
	[tilespmem:s7+$0x30] =	vst v0;
	v0 =	vnsel vm0, $0xFFFFFFFF, v3;
	vm0 =	vlt.u32 v5, $0x3E8  }
0x65: {  	v3 =	vld [tilespmem:s8+$0xFFFFFFB0];
	[tilespmem:s7+$0x40] =	vst v0;
	v0 =	vnsel vm0, $0xFFFFFFFF, v5;
	vm0 =	vlt.u32 v4, $0x3E8  }
0x66: {  	v5 =	vld [tilespmem:s8+$0xFFFFFFC0];
	vm1 =	vlt.u32 v2, $0x3E8;
	[tilespmem:s7+$0x50] =	vst v0;
	v0 =	vnsel vm0, $0xFFFFFFFF, v4  }
0x67: {  	v4 =	vld [tilespmem:s8+$0xFFFFFFD0];
	vm0 =	vlt.u32 v7, $0x3E8;
	v2 =	vnsel vm1, $0xFFFFFFFF, v2;
	[tilespmem:s7+$0x60] =	vst v0  }
0x68: {  	vm1 =	vlt.u32 v6, $0x3E8;
	v8 =	vld [tilespmem:s8+$0xFFFFFFE0];
	v0 =	vnsel vm0, $0xFFFFFFFF, v7;
	[tilespmem:s7+$0xFFFFFF80] =	vst v2;
	s7 =	smov.u32 s8  }
0x69: {  	v2 =	vnsel vm1, $0xFFFFFFFF, v6;
	vm0 =	vlt.u32 v1, $0x3E8;
	v6 =	vld [tilespmem:s8+$0xFFFFFFF0];
	[tilespmem:s8+$0x70] =	vst v0  }
0x6a: {  	[tilespmem:s8+$0xFFFFFF90] =	vst v2;
	v0 =	vnsel vm0, $0xFFFFFFFF, v1;
	vm0 =	vlt.u32 v3, $0x3E8;
	v2 =	vld [tilespmem:s8+$0x0]  }
0x6b: {  	[tilespmem:s8+$0xFFFFFFA0] =	vst v0;
	v0 =	vnsel vm0, $0xFFFFFFFF, v3;
	vm0 =	vlt.u32 v5, $0x3E8;
	v7 =	vld [tilespmem:s8+$0x10]  }
0x6c: {  	[tilespmem:s8+$0xFFFFFFB0] =	vst v0;
	v1 =	vnsel vm0, $0xFFFFFFFF, v5;
	vm0 =	vlt.u32 v4, $0x3E8;
	v0 =	vld [tilespmem:s8+$0x20]  }
.Ltmp1:
0x6d: {  	[tilespmem:s8+$0xFFFFFFC0] =	vst v1;
	v3 =	vnsel vm0, $0xFFFFFFFF, v4;
	vm0 =	vlt.u32 v8, $0x3E8;
	v1 =	vld [tilespmem:s8+$0x30];
	(pc) =	sbr.rel @p0 .LBB2_4-.Ltmp1, $4  }
0x6e: {  	[tilespmem:s8+$0xFFFFFFD0] =	vst v3;
	v4 =	vnsel vm0, $0xFFFFFFFF, v8;
	vm0 =	vlt.u32 v6, $0x3E8;
	v3 =	vld [tilespmem:s8+$0x40]  }
0x6f: {  	[tilespmem:s8+$0xFFFFFFE0] =	vst v4;
	v4 =	vnsel vm0, $0xFFFFFFFF, v6;
	vm0 =	vlt.u32 v2, $0x3E8;
	v5 =	vld [tilespmem:s8+$0x50]  }
0x70: {  	[tilespmem:s8+$0xFFFFFFF0] =	vst v4;
	v6 =	vnsel vm0, $0xFFFFFFFF, v2;
	vm0 =	vlt.u32 v7, $0x3E8;
	v4 =	vld [tilespmem:s8+$0x60]  }
0x71: {  	s8 =	sadd.s32 $0x100, s8;
	v2 =	vld [tilespmem:s7+$0xFFFFFF80];
	[tilespmem:s7+$0x0] =	vst v6;
	v6 =	vnsel vm0, $0xFFFFFFFF, v7;
	vm0 =	vlt.u32 v0, $0x3E8  }
0x72: {  	[tilespmem:s7+$0x10] =	vst v6;
	v0 =	vnsel vm0, $0xFFFFFFFF, v0;
	vm0 =	vlt.u32 v1, $0x3E8  }
0x73: {  	[tilespmem:s7+$0x20] =	vst v0;
	v0 =	vnsel vm0, $0xFFFFFFFF, v1;
	vm0 =	vlt.u32 v3, $0x3E8  }
0x74: {  	[tilespmem:s7+$0x30] =	vst v0;
	v0 =	vnsel vm0, $0xFFFFFFFF, v3;
	vm0 =	vlt.u32 v5, $0x3E8  }
0x75: {  	[tilespmem:s7+$0x40] =	vst v0;
	v0 =	vnsel vm0, $0xFFFFFFFF, v5;
	vm0 =	vlt.u32 v4, $0x3E8  }
0x76: {  	vm1 =	vlt.u32 v2, $0x3E8;
	[tilespmem:s7+$0x50] =	vst v0;
	v0 =	vnsel vm0, $0xFFFFFFFF, v4  }
0x77: {  	v1 =	vnsel vm1, $0xFFFFFFFF, v2;
	[tilespmem:s7+$0x60] =	vst v0  }
0x78: {  	[tilespmem:s7+$0xFFFFFF80] =	vst v1  }
0x79: {  	[hbm4b:s12+s16] =	stream.strided.scatter [tilespmem:s19], [sflag:$0x6], $0x3000, s17, s16, $0x38;
	[tilespmem:$0xD000] =	vst v63  }
0x7a: {  	s18 =	sadd.s32 $0x30000, s12  }
0x7b: {  	[hbm4b:s18+s2] =	stream.linear.scatter [tilespmem:s20], [sflag:$0x6], $0x200, $0x38;
	[tilespmem:$0xD000] =	vst v63  }
0x7c: {  	_ =	swait.ge [sflag:s28], $0x3200  }
0x7d: {  	[sflag:s28] =	ssyncset.done $0x0  }
0x7e: {  	s7 =	simm.s32 $0x6880;
	[sflag:s28] =	ssyncadd.s32 $0xFFFFCE00  }
0x7f: {  	v0 =	vld [tilespmem:s7+$0x70]  }
0x80: {  	v1 =	vld [tilespmem:s7+$0xFFFFFF90]  }
0x81: {  	v2 =	vld [tilespmem:s7+$0xFFFFFFA0]  }
0x82: {  	v3 =	vld [tilespmem:s7+$0xFFFFFFB0]  }
0x83: {  	v4 =	vld [tilespmem:s7+$0xFFFFFFC0]  }
0x84: {  	v5 =	vld [tilespmem:s7+$0xFFFFFFD0];
	vm0 =	vlt.u32 v0, $0x3E8  }
0x85: {  	v6 =	vld [tilespmem:s7+$0xFFFFFFE0];
	vm1 =	vlt.u32 v1, $0x3E8;
	v0 =	vnsel vm0, $0xFFFFFFFF, v0  }
0x86: {  	v7 =	vld [tilespmem:s7+$0xFFFFFFF0];
	v1 =	vnsel vm1, $0xFFFFFFFF, v1;
	vm0 =	vlt.u32 v2, $0x3E8;
	[tilespmem:s7+$0x70] =	vst v0  }
0x87: {  	[tilespmem:s7+$0xFFFFFF90] =	vst v1;
	v0 =	vnsel vm0, $0xFFFFFFFF, v2;
	vm0 =	vlt.u32 v3, $0x3E8;
	v2 =	vld [tilespmem:s7+$0x0]  }
0x88: {  	v8 =	vld [tilespmem:s7+$0x10];
	[tilespmem:s7+$0xFFFFFFA0] =	vst v0;
	v0 =	vnsel vm0, $0xFFFFFFFF, v3;
	vm0 =	vlt.u32 v4, $0x3E8  }
0x89: {  	[tilespmem:s7+$0xFFFFFFB0] =	vst v0;
	v1 =	vnsel vm0, $0xFFFFFFFF, v4;
	vm0 =	vlt.u32 v5, $0x3E8;
	v0 =	vld [tilespmem:s7+$0x20]  }
0x8a: {  	[tilespmem:s7+$0xFFFFFFC0] =	vst v1;
	v3 =	vnsel vm0, $0xFFFFFFFF, v5;
	vm0 =	vlt.u32 v6, $0x3E8;
	v1 =	vld [tilespmem:s7+$0x30]  }
0x8b: {  	[tilespmem:s7+$0xFFFFFFD0] =	vst v3;
	v4 =	vnsel vm0, $0xFFFFFFFF, v6;
	vm0 =	vlt.u32 v7, $0x3E8;
	v3 =	vld [tilespmem:s7+$0x40]  }
0x8c: {  	v5 =	vld [tilespmem:s7+$0x50];
	[tilespmem:s7+$0xFFFFFFE0] =	vst v4;
	v4 =	vnsel vm0, $0xFFFFFFFF, v7;
	vm0 =	vlt.u32 v2, $0x3E8  }
0x8d: {  	[tilespmem:s7+$0xFFFFFFF0] =	vst v4;
	v6 =	vnsel vm0, $0xFFFFFFFF, v2;
	vm0 =	vlt.u32 v8, $0x3E8;
	v4 =	vld [tilespmem:s7+$0x60]  }
0x8e: {  	s8 =	simm.s32 $0x6980;
	s18 =	simm.s32 $0x0;
	v2 =	vld [tilespmem:s7+$0xFFFFFF80];
	[tilespmem:s7+$0x0] =	vst v6;
	v6 =	vnsel vm0, $0xFFFFFFFF, v8;
	vm0 =	vlt.u32 v0, $0x3E8  }
.LBB2_6:
0x8f: {  	v7 =	vld [tilespmem:s8+$0x70];
	s18 =	sadd.s32 $0x2, s18;
	[tilespmem:s7+$0x10] =	vst v6;
	v0 =	vnsel vm0, $0xFFFFFFFF, v0;
	vm0 =	vlt.u32 v1, $0x3E8  }
0x90: {  	v6 =	vld [tilespmem:s8+$0xFFFFFF90];
	p0 =	slt.u32 s18, $0x62;
	[tilespmem:s7+$0x20] =	vst v0;
	v0 =	vnsel vm0, $0xFFFFFFFF, v1;
	vm0 =	vlt.u32 v3, $0x3E8  }
0x91: {  	v1 =	vld [tilespmem:s8+$0xFFFFFFA0];
	[tilespmem:s7+$0x30] =	vst v0;
	v0 =	vnsel vm0, $0xFFFFFFFF, v3;
	vm0 =	vlt.u32 v5, $0x3E8  }
0x92: {  	v3 =	vld [tilespmem:s8+$0xFFFFFFB0];
	[tilespmem:s7+$0x40] =	vst v0;
	v0 =	vnsel vm0, $0xFFFFFFFF, v5;
	vm0 =	vlt.u32 v4, $0x3E8  }
0x93: {  	v5 =	vld [tilespmem:s8+$0xFFFFFFC0];
	vm1 =	vlt.u32 v2, $0x3E8;
	[tilespmem:s7+$0x50] =	vst v0;
	v0 =	vnsel vm0, $0xFFFFFFFF, v4  }
0x94: {  	v4 =	vld [tilespmem:s8+$0xFFFFFFD0];
	vm0 =	vlt.u32 v7, $0x3E8;
	v2 =	vnsel vm1, $0xFFFFFFFF, v2;
	[tilespmem:s7+$0x60] =	vst v0  }
0x95: {  	vm1 =	vlt.u32 v6, $0x3E8;
	v8 =	vld [tilespmem:s8+$0xFFFFFFE0];
	v0 =	vnsel vm0, $0xFFFFFFFF, v7;
	[tilespmem:s7+$0xFFFFFF80] =	vst v2;
	s7 =	smov.u32 s8  }
0x96: {  	v2 =	vnsel vm1, $0xFFFFFFFF, v6;
	vm0 =	vlt.u32 v1, $0x3E8;
	v6 =	vld [tilespmem:s8+$0xFFFFFFF0];
	[tilespmem:s8+$0x70] =	vst v0  }
0x97: {  	[tilespmem:s8+$0xFFFFFF90] =	vst v2;
	v0 =	vnsel vm0, $0xFFFFFFFF, v1;
	vm0 =	vlt.u32 v3, $0x3E8;
	v2 =	vld [tilespmem:s8+$0x0]  }
0x98: {  	[tilespmem:s8+$0xFFFFFFA0] =	vst v0;
	v0 =	vnsel vm0, $0xFFFFFFFF, v3;
	vm0 =	vlt.u32 v5, $0x3E8;
	v7 =	vld [tilespmem:s8+$0x10]  }
0x99: {  	[tilespmem:s8+$0xFFFFFFB0] =	vst v0;
	v1 =	vnsel vm0, $0xFFFFFFFF, v5;
	vm0 =	vlt.u32 v4, $0x3E8;
	v0 =	vld [tilespmem:s8+$0x20]  }
.Ltmp2:
0x9a: {  	[tilespmem:s8+$0xFFFFFFC0] =	vst v1;
	v3 =	vnsel vm0, $0xFFFFFFFF, v4;
	vm0 =	vlt.u32 v8, $0x3E8;
	v1 =	vld [tilespmem:s8+$0x30];
	(pc) =	sbr.rel @p0 .LBB2_6-.Ltmp2, $4  }
0x9b: {  	[tilespmem:s8+$0xFFFFFFD0] =	vst v3;
	v4 =	vnsel vm0, $0xFFFFFFFF, v8;
	vm0 =	vlt.u32 v6, $0x3E8;
	v3 =	vld [tilespmem:s8+$0x40]  }
0x9c: {  	[tilespmem:s8+$0xFFFFFFE0] =	vst v4;
	v4 =	vnsel vm0, $0xFFFFFFFF, v6;
	vm0 =	vlt.u32 v2, $0x3E8;
	v5 =	vld [tilespmem:s8+$0x50]  }
0x9d: {  	[tilespmem:s8+$0xFFFFFFF0] =	vst v4;
	v6 =	vnsel vm0, $0xFFFFFFFF, v2;
	vm0 =	vlt.u32 v7, $0x3E8;
	v4 =	vld [tilespmem:s8+$0x60]  }
0x9e: {  	s8 =	sadd.s32 $0x100, s8;
	v2 =	vld [tilespmem:s7+$0xFFFFFF80];
	[tilespmem:s7+$0x0] =	vst v6;
	v6 =	vnsel vm0, $0xFFFFFFFF, v7;
	vm0 =	vlt.u32 v0, $0x3E8  }
0x9f: {  	[tilespmem:s7+$0x10] =	vst v6;
	v0 =	vnsel vm0, $0xFFFFFFFF, v0;
	vm0 =	vlt.u32 v1, $0x3E8  }
0xa0: {  	[tilespmem:s7+$0x20] =	vst v0;
	v0 =	vnsel vm0, $0xFFFFFFFF, v1;
	vm0 =	vlt.u32 v3, $0x3E8  }
0xa1: {  	[tilespmem:s7+$0x30] =	vst v0;
	v0 =	vnsel vm0, $0xFFFFFFFF, v3;
	vm0 =	vlt.u32 v5, $0x3E8  }
0xa2: {  	[tilespmem:s7+$0x40] =	vst v0;
	v0 =	vnsel vm0, $0xFFFFFFFF, v5;
	vm0 =	vlt.u32 v4, $0x3E8  }
0xa3: {  	vm1 =	vlt.u32 v2, $0x3E8;
	[tilespmem:s7+$0x50] =	vst v0;
	v0 =	vnsel vm0, $0xFFFFFFFF, v4  }
0xa4: {  	v1 =	vnsel vm1, $0xFFFFFFFF, v2;
	[tilespmem:s7+$0x60] =	vst v0  }
0xa5: {  	[tilespmem:s7+$0xFFFFFF80] =	vst v1  }
0xa6: {  	[hbm4b:s13+s16] =	stream.strided.scatter [tilespmem:s21], [sflag:$0x7], $0x3000, s17, s16, $0x38;
	[tilespmem:$0xD000] =	vst v63  }
0xa7: {  	s18 =	sadd.s32 $0x30000, s13  }
0xa8: {  	[hbm4b:s18+s2] =	stream.linear.scatter [tilespmem:s22], [sflag:$0x7], $0x200, $0x38;
	[tilespmem:$0xD000] =	vst v63  }
0xa9: {  	_ =	swait.ge [sflag:s29], $0x3200  }
0xaa: {  	[sflag:s29] =	ssyncset.done $0x0  }
0xab: {  	s7 =	simm.s32 $0x9C80;
	[sflag:s29] =	ssyncadd.s32 $0xFFFFCE00  }
0xac: {  	v0 =	vld [tilespmem:s7+$0x70]  }
0xad: {  	v1 =	vld [tilespmem:s7+$0xFFFFFF90]  }
0xae: {  	v2 =	vld [tilespmem:s7+$0xFFFFFFA0]  }
0xaf: {  	v3 =	vld [tilespmem:s7+$0xFFFFFFB0]  }
0xb0: {  	v4 =	vld [tilespmem:s7+$0xFFFFFFC0]  }
0xb1: {  	v5 =	vld [tilespmem:s7+$0xFFFFFFD0];
	vm0 =	vlt.u32 v0, $0x3E8  }
0xb2: {  	v6 =	vld [tilespmem:s7+$0xFFFFFFE0];
	vm1 =	vlt.u32 v1, $0x3E8;
	v0 =	vnsel vm0, $0xFFFFFFFF, v0  }
0xb3: {  	v7 =	vld [tilespmem:s7+$0xFFFFFFF0];
	v1 =	vnsel vm1, $0xFFFFFFFF, v1;
	vm0 =	vlt.u32 v2, $0x3E8;
	[tilespmem:s7+$0x70] =	vst v0  }
0xb4: {  	[tilespmem:s7+$0xFFFFFF90] =	vst v1;
	v0 =	vnsel vm0, $0xFFFFFFFF, v2;
	vm0 =	vlt.u32 v3, $0x3E8;
	v2 =	vld [tilespmem:s7+$0x0]  }
0xb5: {  	v8 =	vld [tilespmem:s7+$0x10];
	[tilespmem:s7+$0xFFFFFFA0] =	vst v0;
	v0 =	vnsel vm0, $0xFFFFFFFF, v3;
	vm0 =	vlt.u32 v4, $0x3E8  }
0xb6: {  	[tilespmem:s7+$0xFFFFFFB0] =	vst v0;
	v1 =	vnsel vm0, $0xFFFFFFFF, v4;
	vm0 =	vlt.u32 v5, $0x3E8;
	v0 =	vld [tilespmem:s7+$0x20]  }
0xb7: {  	[tilespmem:s7+$0xFFFFFFC0] =	vst v1;
	v3 =	vnsel vm0, $0xFFFFFFFF, v5;
	vm0 =	vlt.u32 v6, $0x3E8;
	v1 =	vld [tilespmem:s7+$0x30]  }
0xb8: {  	[tilespmem:s7+$0xFFFFFFD0] =	vst v3;
	v4 =	vnsel vm0, $0xFFFFFFFF, v6;
	vm0 =	vlt.u32 v7, $0x3E8;
	v3 =	vld [tilespmem:s7+$0x40]  }
0xb9: {  	v5 =	vld [tilespmem:s7+$0x50];
	[tilespmem:s7+$0xFFFFFFE0] =	vst v4;
	v4 =	vnsel vm0, $0xFFFFFFFF, v7;
	vm0 =	vlt.u32 v2, $0x3E8  }
0xba: {  	[tilespmem:s7+$0xFFFFFFF0] =	vst v4;
	v6 =	vnsel vm0, $0xFFFFFFFF, v2;
	vm0 =	vlt.u32 v8, $0x3E8;
	v4 =	vld [tilespmem:s7+$0x60]  }
0xbb: {  	s8 =	simm.s32 $0x9D80;
	s18 =	simm.s32 $0x0;
	v2 =	vld [tilespmem:s7+$0xFFFFFF80];
	[tilespmem:s7+$0x0] =	vst v6;
	v6 =	vnsel vm0, $0xFFFFFFFF, v8;
	vm0 =	vlt.u32 v0, $0x3E8  }
.LBB2_8:
0xbc: {  	v7 =	vld [tilespmem:s8+$0x70];
	s18 =	sadd.s32 $0x2, s18;
	[tilespmem:s7+$0x10] =	vst v6;
	v0 =	vnsel vm0, $0xFFFFFFFF, v0;
	vm0 =	vlt.u32 v1, $0x3E8  }
0xbd: {  	v6 =	vld [tilespmem:s8+$0xFFFFFF90];
	p0 =	slt.u32 s18, $0x62;
	[tilespmem:s7+$0x20] =	vst v0;
	v0 =	vnsel vm0, $0xFFFFFFFF, v1;
	vm0 =	vlt.u32 v3, $0x3E8  }
0xbe: {  	v1 =	vld [tilespmem:s8+$0xFFFFFFA0];
	[tilespmem:s7+$0x30] =	vst v0;
	v0 =	vnsel vm0, $0xFFFFFFFF, v3;
	vm0 =	vlt.u32 v5, $0x3E8  }
0xbf: {  	v3 =	vld [tilespmem:s8+$0xFFFFFFB0];
	[tilespmem:s7+$0x40] =	vst v0;
	v0 =	vnsel vm0, $0xFFFFFFFF, v5;
	vm0 =	vlt.u32 v4, $0x3E8  }
0xc0: {  	v5 =	vld [tilespmem:s8+$0xFFFFFFC0];
	vm1 =	vlt.u32 v2, $0x3E8;
	[tilespmem:s7+$0x50] =	vst v0;
	v0 =	vnsel vm0, $0xFFFFFFFF, v4  }
0xc1: {  	v4 =	vld [tilespmem:s8+$0xFFFFFFD0];
	vm0 =	vlt.u32 v7, $0x3E8;
	v2 =	vnsel vm1, $0xFFFFFFFF, v2;
	[tilespmem:s7+$0x60] =	vst v0  }
0xc2: {  	vm1 =	vlt.u32 v6, $0x3E8;
	v8 =	vld [tilespmem:s8+$0xFFFFFFE0];
	v0 =	vnsel vm0, $0xFFFFFFFF, v7;
	[tilespmem:s7+$0xFFFFFF80] =	vst v2;
	s7 =	smov.u32 s8  }
0xc3: {  	v2 =	vnsel vm1, $0xFFFFFFFF, v6;
	vm0 =	vlt.u32 v1, $0x3E8;
	v6 =	vld [tilespmem:s8+$0xFFFFFFF0];
	[tilespmem:s8+$0x70] =	vst v0  }
0xc4: {  	[tilespmem:s8+$0xFFFFFF90] =	vst v2;
	v0 =	vnsel vm0, $0xFFFFFFFF, v1;
	vm0 =	vlt.u32 v3, $0x3E8;
	v2 =	vld [tilespmem:s8+$0x0]  }
0xc5: {  	[tilespmem:s8+$0xFFFFFFA0] =	vst v0;
	v0 =	vnsel vm0, $0xFFFFFFFF, v3;
	vm0 =	vlt.u32 v5, $0x3E8;
	v7 =	vld [tilespmem:s8+$0x10]  }
0xc6: {  	[tilespmem:s8+$0xFFFFFFB0] =	vst v0;
	v1 =	vnsel vm0, $0xFFFFFFFF, v5;
	vm0 =	vlt.u32 v4, $0x3E8;
	v0 =	vld [tilespmem:s8+$0x20]  }
.Ltmp3:
0xc7: {  	[tilespmem:s8+$0xFFFFFFC0] =	vst v1;
	v3 =	vnsel vm0, $0xFFFFFFFF, v4;
	vm0 =	vlt.u32 v8, $0x3E8;
	v1 =	vld [tilespmem:s8+$0x30];
	(pc) =	sbr.rel @p0 .LBB2_8-.Ltmp3, $4  }
0xc8: {  	[tilespmem:s8+$0xFFFFFFD0] =	vst v3;
	v4 =	vnsel vm0, $0xFFFFFFFF, v8;
	vm0 =	vlt.u32 v6, $0x3E8;
	v3 =	vld [tilespmem:s8+$0x40]  }
0xc9: {  	[tilespmem:s8+$0xFFFFFFE0] =	vst v4;
	v4 =	vnsel vm0, $0xFFFFFFFF, v6;
	vm0 =	vlt.u32 v2, $0x3E8;
	v5 =	vld [tilespmem:s8+$0x50]  }
0xca: {  	[tilespmem:s8+$0xFFFFFFF0] =	vst v4;
	v6 =	vnsel vm0, $0xFFFFFFFF, v2;
	vm0 =	vlt.u32 v7, $0x3E8;
	v4 =	vld [tilespmem:s8+$0x60]  }
0xcb: {  	s8 =	sadd.s32 $0x100, s8;
	v2 =	vld [tilespmem:s7+$0xFFFFFF80];
	[tilespmem:s7+$0x0] =	vst v6;
	v6 =	vnsel vm0, $0xFFFFFFFF, v7;
	vm0 =	vlt.u32 v0, $0x3E8  }
0xcc: {  	[tilespmem:s7+$0x10] =	vst v6;
	v0 =	vnsel vm0, $0xFFFFFFFF, v0;
	vm12 =	vlt.u32 v1, $0x3E8  }
0xcd: {  	[tilespmem:s7+$0x20] =	vst v0;
	v59 =	vnsel vm12, $0xFFFFFFFF, v1;
	vm13 =	vlt.u32 v3, $0x3E8  }
0xce: {  	[tilespmem:s7+$0x30] =	vst v59;
	v60 =	vnsel vm13, $0xFFFFFFFF, v3;
	vm14 =	vlt.u32 v5, $0x3E8  }
0xcf: {  	[tilespmem:s7+$0x40] =	vst v60;
	v61 =	vnsel vm14, $0xFFFFFFFF, v5;
	vm15 =	vlt.u32 v4, $0x3E8  }
0xd0: {  	vm1 =	vlt.u32 v2, $0x3E8;
	[tilespmem:s7+$0x50] =	vst v61;
	v62 =	vnsel vm15, $0xFFFFFFFF, v4  }
0xd1: {  	v63 =	vnsel vm1, $0xFFFFFFFF, v2;
	[tilespmem:s7+$0x60] =	vst v62  }
0xd2: {  	[tilespmem:s7+$0xFFFFFF80] =	vst v63  }
0xd3: {  	[hbm4b:s14+s16] =	stream.strided.scatter [tilespmem:s23], [sflag:$0x8], $0x3000, s17, s16, $0x38;
	[tilespmem:$0xD000] =	vst v63  }
0xd4: {  	s18 =	sadd.s32 $0x30000, s14  }
0xd5: {  	[hbm4b:s18+s2] =	stream.linear.scatter [tilespmem:s24], [sflag:$0x8], $0x200, $0x38;
	[tilespmem:$0xD000] =	vst v63  }
0xd6: {  	_ =	swait.ge [sflag:s30], $0x3200  }
0xd7: {  	[sflag:s30] =	ssyncset.done $0x0  }
0xd8: {  	[sflag:s30] =	ssyncadd.s32 $0xFFFFCE00  }
0xd9: {  	_ =	swait.ge [sflag:s31], $0x3200  }
0xda: {  	[sflag:s31] =	ssyncset.done $0x0  }
0xdb: {  	s4 =	sadd.s32 $0x1, s4;
	[sflag:s31] =	ssyncadd.s32 $0xFFFFCE00  }
0xdc: {  	p0 =	sne.s32 s4, s15;
	_ =	swait.ge [sflag:s0], $0x3200  }
.Ltmp4:
0xdd: {  	[sflag:s0] =	ssyncset.done $0x0;
	(pc) =	sbr.rel @p0 .LBB2_1-.Ltmp4, $4  }
0xde: {  	[sflag:s0] =	ssyncadd.s32 $0xFFFFCE00  }
0xdf: {  	_ =	swait.ge [sflag:s1], $0x3200  }
0xe0: {  	[sflag:s1] =	ssyncset.done $0x0  }
0xe1: {  	[sflag:s1] =	ssyncadd.s32 $0xFFFFCE00  }
0xe2: {  	_ =	sfence.sel $0x180000  }
0xe3: {  	[bflag:$0x0] =	sbarrier.arrive $0xFFFF  }
0xe4: {  	_ =	strace $0x90000047  }
0xe5: {  	s0 =	stileid.u32;
	[bflag:$0x2] =	sbarrier.arrive $0xFFFF  }
0xe6: {  	p0 =	sne.s32 s0, $0x0;
	s0 =	rddreg [dreg:$0x2]  }
0xe7: {  	s0 =	sadd.s32 @!p0 $0x100000, s0  }
0xe8: {  	[sflag:s0] =	ssyncadd.tile.s32 @!p0 $0x1;
	_ =	shalt  }
.Lfunc_end2:
_tile_overlayer_lowered:
.L_overlay_start_2:
0xe9: {  	(tag) =	ssettag $0x2  }
0xea: {  	s0 =	rddreg [dreg:$0x0];
	s2 =	stileid.u32  }
0xeb: {  	s1 =	rddreg [dreg:$0x1];
	p0 =	sne.s32 s2, $0x0  }
0xec: {  	s3 =	rddreg [dreg:$0x2];
	[bflag:$0x3] =	sbarrier.arrive $0xFFFF;
	s2 =	simm.s32 @!p0 $0x1C09  }
0xed: {  	[timem:s3], [sflag:s2] =	dma.local @!p0 [hbm:s0], s1  }
0xee: {  	s0 =	simm.s32 @!p0 $0x9  }
0xef: {  	_ =	swait.ge @!p0 [sflag:s0], s1  }
0xf0: {  	s1 =	ssub.s32 @!p0 $0x0, s1;
	[sflag:s0] =	ssyncset.done @!p0 $0x0  }
0xf1: {  	[sflag:s0] =	ssyncadd.s32 @!p0 s1  }
0xf2: {  	[bflag:$0x3] =	sbarrier.arrive $0xFFFF  }
0xf3: {  	_ =	shalt  }

</sc_bundles>
